<compile_context>
chip_gen: v7x
topology: tpu7x:2x2x1
jax: 0.10.2.dev20260603
libtpu: 0.0.44.dev20260713+nightly
codegen_flags: <defaults>
</compile_context>

<pallas_src>
import jax
import jax.numpy as jnp
from jax import lax
from jax.experimental import pallas as pl
from jax.experimental.pallas import tpu as pltpu
from jax.experimental.pallas import tpu_sc as plsc

B = 1024
T = 2048
N_SEG = 102
L = 204
NW = 32
ROWS_PER_W = B // NW
CHUNK = 16
NCHUNK = ROWS_PER_W // CHUNK
NEG = -4096
COV = -4095
NFULL = N_SEG // 16
NTAIL = N_SEG - NFULL * 16
TLOAD = 1848
CS = 17
U = 8


def _mask_apply(res, starts1):
    mesh = plsc.VectorSubcoreMesh(core_axis_name="c", subcore_axis_name="s")

    @pl.kernel(
        mesh=mesh,
        out_type=jax.ShapeDtypeStruct((B, T), jnp.float32),
        scratch_types=[
            pltpu.VMEM((CHUNK * N_SEG,), jnp.int32),
            pltpu.VMEM((CHUNK, T), jnp.float32),
            pltpu.VMEM((CHUNK, T), jnp.float32),
            pltpu.VMEM((T * CS + 16,), jnp.int32),
            pltpu.SemaphoreType.DMA,
            pltpu.SemaphoreType.DMA,
            pltpu.SemaphoreType.DMA,
        ],
        compiler_params=pltpu.CompilerParams(needs_layout_passes=False),
    )
    def body(res_hbm, starts_hbm, out_hbm, sv0, inbuf, ob, M,
             sis, sir, so):
        wid = lax.axis_index("s") * 2 + lax.axis_index("c")
        neg = jnp.full((16,), NEG, jnp.int32)
        covv = jnp.full((16,), COV, jnp.int32)
        iota = lax.iota(jnp.int32, 16)
        iotacs = iota * CS
        tailmask = iota < NTAIL
        zero = jnp.zeros((16,), jnp.float32)

        @plsc.parallel_loop(0, (T * CS + 16) // 16, unroll=8)
        def _init(i):
            M[pl.ds(i * 16, 16)] = neg

        def start_in_res(c):
            row0 = wid * ROWS_PER_W + c * CHUNK
            return pltpu.async_copy(
                res_hbm.at[pl.ds(row0, CHUNK)], inbuf, sir)

        def start_in_starts(c):
            row0 = wid * ROWS_PER_W + c * CHUNK
            return pltpu.async_copy(
                starts_hbm.at[pl.ds(row0 * N_SEG, CHUNK * N_SEG)], sv0, sis)

        h_r = {0: start_in_res(0)}
        h_out = {}
        for c in range(NCHUNK):
            row0 = wid * ROWS_PER_W + c * CHUNK
            start_in_starts(c).wait()

            @plsc.parallel_loop(0, CHUNK, unroll=2)
            def _scat(r):
                sb = r * N_SEG
                for j in range(NFULL):
                    sv = sv0[pl.ds(sb + j * 16, 16)]
                    plsc.store_scatter(M, [sv * CS + r], sv)
                sv = sv0[pl.ds(sb + NFULL * 16, 16)]
                plsc.store_scatter(M, [sv * CS + r], sv, mask=tailmask)

            @plsc.parallel_loop(0, TLOAD, carry=neg, unroll=U)
            def carry(t, cr):
                mt = M[pl.ds(t * CS, 16)]
                cr = jnp.maximum(cr, mt)
                cov = cr > t - L
                M[pl.ds(t * CS, 16)] = jnp.where(cov, covv, neg)
                return cr

            @plsc.parallel_loop(TLOAD, T, unroll=U)
            def _tail(t):
                cov = carry > t - L
                M[pl.ds(t * CS, 16)] = jnp.where(cov, covv, neg)

            h_r.pop(c).wait()
            if c - 1 >= 0:
                h_out.pop(c - 1).wait()

            @plsc.parallel_loop(0, CHUNK * (T // 16), unroll=U)
            def _apply(rg):
                r = rg // (T // 16)
                g = rg % (T // 16)
                idx = iotacs + (g * (16 * CS) + r)
                mv = plsc.load_gather(M, [idx])
                rv = inbuf[r, pl.ds(g * 16, 16)]
                ob[r, pl.ds(g * 16, 16)] = jnp.where(mv == COV, zero, rv)

            h_out[c] = pltpu.async_copy(
                ob, out_hbm.at[pl.ds(row0, CHUNK)], so)
            if c + 1 < NCHUNK:
                h_r[c + 1] = start_in_res(c + 1)
        for c in sorted(h_out):
            h_out.pop(c).wait()

    return body(res, starts1)


def kernel(res):
    starts = jax.random.randint(jax.random.key(42), (B, N_SEG), 0, T - L + 1)
    starts1 = starts.astype(jnp.int32).reshape(-1)
    return _mask_apply(res, starts1)

# --- scband reference (transcript-rebuilt; emitter-appended) ---
"""Pipeline reference for scband-continuous-mask-18056042512479 (READ-ONLY COPY).

The authoritative reference and input builder live on the scoring server;
editing this copy changes nothing except your own understanding.
"""

import jax, jax.numpy as jnp
import numpy as np

B = 1024
T = 2048
N_SEG = max(min(int(0.05 * T), T // 2), 1)  # 102 segments per row
L = max(int(0.1 * T), 1)                    # 204 timesteps per segment


def setup_inputs() -> dict:
    # self.res state buffer, initialized to all-True (represented as 1.0 float mask)
    res = jnp.ones((B, T), dtype=jnp.float32)
    return {"res": res}


def reference(res):
    # Faithful vectorization of the per-row python loops:
    # for each row i, draw N_SEG random segment starts t in [0, T-L], and
    # overwrite res[i, t:t+L] with False (0.0). Overlapping segments are fine
    # since scatter-overwrite is idempotent for a constant value.
    key = jax.random.key(42)
    starts = jax.random.randint(key, (B, N_SEG), 0, T - L + 1)  # int32 [B, N_SEG]
    offs = jnp.arange(L)
    cols = starts[:, :, None] + offs[None, None, :]             # [B, N_SEG, L]
    rows = jnp.broadcast_to(jnp.arange(B)[:, None, None], cols.shape)
    r = rows.reshape(-1)
    c = cols.reshape(-1)
    # scatter-overwrite: res[i, t:t+L] = 0.0 (i.e. False)
    out = res.at[r, c].set(0.0)
    return out

if __name__ == "__main__":
    import jax
    _d = setup_inputs()
    print(jax.jit(kernel)(*tuple(_d.values())))

</pallas_src>

<mosaic_0001>
#map = affine_map<(d0, d1) -> (0, 0)>
#map1 = affine_map<(d0, d1) -> (0)>
module attributes {stable_mosaic.version = 14 : i64} {
  func.func @body(%arg0: i32, %arg1: i32, %arg2: memref<1024x2048xf32, #tpu.memory_space<hbm>>, %arg3: memref<104448xi32, #tpu.memory_space<hbm>>, %arg4: memref<1024x2048xf32, #tpu.memory_space<hbm>>, %arg5: memref<1632xi32, #tpu.memory_space<vmem>>, %arg6: memref<16x2048xf32, #tpu.memory_space<vmem>>, %arg7: memref<16x2048xf32, #tpu.memory_space<vmem>>, %arg8: memref<34832xi32, #tpu.memory_space<vmem>>, %arg9: memref<!tpu.dma_semaphore, #tpu.memory_space<semaphore_mem>>, %arg10: memref<!tpu.dma_semaphore, #tpu.memory_space<semaphore_mem>>, %arg11: memref<!tpu.dma_semaphore, #tpu.memory_space<semaphore_mem>>) attributes {dimension_semantics = [#tpu.dimension_semantics<core_parallel>, #tpu.dimension_semantics<subcore_parallel>], iteration_bounds = array<i64: 2, 16>, scalar_prefetch = 0 : i64, scratch_operands = 7 : i64, tpu.core_type = #tpu.core_type<sc_vector_subcore>, window_params = [{transform_indices = #map}, {transform_indices = #map1}, {transform_indices = #map}]} {
    %mul3A = arith.constant 2 : i32
    %mul3A_0 = arith.muli %arg1, %mul3A : i32
    %add3A = arith.addi %mul3A_0, %arg0 : i32
    %broadcast_in_dim3A = arith.constant -4096 : i32
    %broadcast_in_dim3A_1 = vector.broadcast %broadcast_in_dim3A : i32 to vector<16xi32>
    %broadcast_in_dim3A_2 = arith.constant -4095 : i32
    %broadcast_in_dim3A_3 = vector.broadcast %broadcast_in_dim3A_2 : i32 to vector<16xi32>
    %iota3A = tpu.iota {dimensions = array<i32: 0>} : vector<16xi32>
    %mul3A_4 = arith.constant 17 : i32
    %mul3A_5 = vector.broadcast %mul3A_4 : i32 to vector<16xi32>
    %mul3A_6 = arith.muli %iota3A, %mul3A_5 : vector<16xi32>
    %lt3A = arith.constant 6 : i32
    %lt3A_7 = vector.broadcast %lt3A : i32 to vector<16xi32>
    %lt3A_8 = arith.cmpi slt, %iota3A, %lt3A_7 : vector<16xi32>
    %broadcast_in_dim3A_9 = arith.constant 0.000000e+00 : f32
    %broadcast_in_dim3A_10 = vector.broadcast %broadcast_in_dim3A_9 : f32 to vector<16xf32>
    %parallel_loop3A = arith.constant 0 : i32
    %parallel_loop3A_11 = arith.constant 2177 : i32
    %parallel_loop3A_12 = arith.constant 1 : i32
    scf.for %parallel_loop3A_105 = %parallel_loop3A to %parallel_loop3A_11 step %parallel_loop3A_12  : i32 {
      %parallel_loop3A_106 = arith.constant 16 : i32
      %parallel_loop3A_107 = arith.muli %parallel_loop3A_105, %parallel_loop3A_106 : i32
      %parallel_loop3A_108 = arith.index_cast %parallel_loop3A_107 : i32 to index
      %parallel_loop3A_109 = tpu.vector_load %arg8[%parallel_loop3A_108] {strides = array<i32>} : memref<34832xi32, #tpu.memory_space<vmem>>, vector<16xi32>,
      tpu.vector_store %arg8[%parallel_loop3A_108], %broadcast_in_dim3A_1 {strides = array<i32>} : memref<34832xi32, #tpu.memory_space<vmem>>, vector<16xi32>,
    } {sc.loop_unroll_factor = 8 : i64, sc.parallel_access}
    %mul3A_13 = arith.constant 32 : i32
    %mul3A_14 = arith.muli %add3A, %mul3A_13 : i32
    %add3A_15 = arith.constant 0 : i32
    %add3A_16 = arith.addi %mul3A_14, %add3A_15 : i32
    %dma_start3A = arith.constant 0 : i32
    %dma_start3A_17 = tpu.memref_slice %arg2[%add3A_16, %dma_start3A] : memref<1024x2048xf32, #tpu.memory_space<hbm>> -> memref<16x2048xf32, #tpu.memory_space<hbm>>
    %dma_start3A_18 = arith.constant 0 : i32
    %dma_start3A_19 = tpu.memref_slice %arg2[%add3A_16, %dma_start3A_18] : memref<1024x2048xf32, #tpu.memory_space<hbm>> -> memref<16x2048xf32, #tpu.memory_space<hbm>>
    tpu.enqueue_dma source(%dma_start3A_19 : memref<16x2048xf32, #tpu.memory_space<hbm>>) target(%arg6 : memref<16x2048xf32, #tpu.memory_space<vmem>>) target_semaphore(%arg10 : memref<!tpu.dma_semaphore, #tpu.memory_space<semaphore_mem>>)
    %mul3A_20 = arith.constant 32 : i32
    %mul3A_21 = arith.muli %add3A, %mul3A_20 : i32
    %add3A_22 = arith.constant 0 : i32
    %add3A_23 = arith.addi %mul3A_21, %add3A_22 : i32
    %mul3A_24 = arith.constant 32 : i32
    %mul3A_25 = arith.muli %add3A, %mul3A_24 : i32
    %add3A_26 = arith.constant 0 : i32
    %add3A_27 = arith.addi %mul3A_25, %add3A_26 : i32
    %mul3A_28 = arith.constant 102 : i32
    %mul3A_29 = arith.muli %add3A_27, %mul3A_28 : i32
    %dma_start3A_30 = tpu.memref_slice %arg3[%mul3A_29] : memref<104448xi32, #tpu.memory_space<hbm>> -> memref<1632xi32, #tpu.memory_space<hbm>>
    %dma_start3A_31 = tpu.memref_slice %arg3[%mul3A_29] : memref<104448xi32, #tpu.memory_space<hbm>> -> memref<1632xi32, #tpu.memory_space<hbm>>
    tpu.enqueue_dma source(%dma_start3A_31 : memref<1632xi32, #tpu.memory_space<hbm>>) target(%arg5 : memref<1632xi32, #tpu.memory_space<vmem>>) target_semaphore(%arg9 : memref<!tpu.dma_semaphore, #tpu.memory_space<semaphore_mem>>)
    %dma_wait3A = tpu.memref_slice %arg3[%mul3A_29] : memref<104448xi32, #tpu.memory_space<hbm>> -> memref<1632xi32, #tpu.memory_space<hbm>>
    %dma_wait3A_32 = tpu.memref_slice %arg3[%mul3A_29] : memref<104448xi32, #tpu.memory_space<hbm>> -> memref<1632xi32, #tpu.memory_space<hbm>>
    tpu.wait_dma2 semaphore(%arg9 : memref<!tpu.dma_semaphore, #tpu.memory_space<semaphore_mem>>) src(%dma_wait3A_32 : memref<1632xi32, #tpu.memory_space<hbm>>) dst(%arg5 : memref<1632xi32, #tpu.memory_space<vmem>>)
    %parallel_loop3A_33 = arith.constant 0 : i32
    %parallel_loop3A_34 = arith.constant 16 : i32
    %parallel_loop3A_35 = arith.constant 1 : i32
    scf.for %parallel_loop3A_105 = %parallel_loop3A_33 to %parallel_loop3A_34 step %parallel_loop3A_35  : i32 {
      %parallel_loop3A_106 = arith.constant 102 : i32
      %parallel_loop3A_107 = arith.muli %parallel_loop3A_105, %parallel_loop3A_106 : i32
      %parallel_loop3A_108 = arith.constant 0 : i32
      %parallel_loop3A_109 = arith.addi %parallel_loop3A_107, %parallel_loop3A_108 : i32
      %parallel_loop3A_110 = arith.index_cast %parallel_loop3A_109 : i32 to index
      %parallel_loop3A_111 = tpu.vector_load %arg5[%parallel_loop3A_110] {strides = array<i32>} : memref<1632xi32, #tpu.memory_space<vmem>>, vector<16xi32>,
      %parallel_loop3A_112 = arith.constant 17 : i32
      %parallel_loop3A_113 = vector.broadcast %parallel_loop3A_112 : i32 to vector<16xi32>
      %parallel_loop3A_114 = arith.muli %parallel_loop3A_111, %parallel_loop3A_113 : vector<16xi32>
      %parallel_loop3A_115 = vector.broadcast %parallel_loop3A_105 : i32 to vector<16xi32>
      %parallel_loop3A_116 = arith.addi %parallel_loop3A_114, %parallel_loop3A_115 : vector<16xi32>
      tpu.vector_store_idx %arg8[%parallel_loop3A_116], %parallel_loop3A_111 : memref<34832xi32, #tpu.memory_space<vmem>>[vector<16xi32>], vector<16xi32>,
      %parallel_loop3A_117 = arith.constant 16 : i32
      %parallel_loop3A_118 = arith.addi %parallel_loop3A_107, %parallel_loop3A_117 : i32
      %parallel_loop3A_119 = arith.index_cast %parallel_loop3A_118 : i32 to index
      %parallel_loop3A_120 = tpu.vector_load %arg5[%parallel_loop3A_119] {strides = array<i32>} : memref<1632xi32, #tpu.memory_space<vmem>>, vector<16xi32>,
      %parallel_loop3A_121 = arith.constant 17 : i32
      %parallel_loop3A_122 = vector.broadcast %parallel_loop3A_121 : i32 to vector<16xi32>
      %parallel_loop3A_123 = arith.muli %parallel_loop3A_120, %parallel_loop3A_122 : vector<16xi32>
      %parallel_loop3A_124 = vector.broadcast %parallel_loop3A_105 : i32 to vector<16xi32>
      %parallel_loop3A_125 = arith.addi %parallel_loop3A_123, %parallel_loop3A_124 : vector<16xi32>
      tpu.vector_store_idx %arg8[%parallel_loop3A_125], %parallel_loop3A_120 : memref<34832xi32, #tpu.memory_space<vmem>>[vector<16xi32>], vector<16xi32>,
      %parallel_loop3A_126 = arith.constant 32 : i32
      %parallel_loop3A_127 = arith.addi %parallel_loop3A_107, %parallel_loop3A_126 : i32
      %parallel_loop3A_128 = arith.index_cast %parallel_loop3A_127 : i32 to index
      %parallel_loop3A_129 = tpu.vector_load %arg5[%parallel_loop3A_128] {strides = array<i32>} : memref<1632xi32, #tpu.memory_space<vmem>>, vector<16xi32>,
      %parallel_loop3A_130 = arith.constant 17 : i32
      %parallel_loop3A_131 = vector.broadcast %parallel_loop3A_130 : i32 to vector<16xi32>
      %parallel_loop3A_132 = arith.muli %parallel_loop3A_129, %parallel_loop3A_131 : vector<16xi32>
      %parallel_loop3A_133 = vector.broadcast %parallel_loop3A_105 : i32 to vector<16xi32>
      %parallel_loop3A_134 = arith.addi %parallel_loop3A_132, %parallel_loop3A_133 : vector<16xi32>
      tpu.vector_store_idx %arg8[%parallel_loop3A_134], %parallel_loop3A_129 : memref<34832xi32, #tpu.memory_space<vmem>>[vector<16xi32>], vector<16xi32>,
      %parallel_loop3A_135 = arith.constant 48 : i32
      %parallel_loop3A_136 = arith.addi %parallel_loop3A_107, %parallel_loop3A_135 : i32
      %parallel_loop3A_137 = arith.index_cast %parallel_loop3A_136 : i32 to index
      %parallel_loop3A_138 = tpu.vector_load %arg5[%parallel_loop3A_137] {strides = array<i32>} : memref<1632xi32, #tpu.memory_space<vmem>>, vector<16xi32>,
      %parallel_loop3A_139 = arith.constant 17 : i32
      %parallel_loop3A_140 = vector.broadcast %parallel_loop3A_139 : i32 to vector<16xi32>
      %parallel_loop3A_141 = arith.muli %parallel_loop3A_138, %parallel_loop3A_140 : vector<16xi32>
      %parallel_loop3A_142 = vector.broadcast %parallel_loop3A_105 : i32 to vector<16xi32>
      %parallel_loop3A_143 = arith.addi %parallel_loop3A_141, %parallel_loop3A_142 : vector<16xi32>
      tpu.vector_store_idx %arg8[%parallel_loop3A_143], %parallel_loop3A_138 : memref<34832xi32, #tpu.memory_space<vmem>>[vector<16xi32>], vector<16xi32>,
      %parallel_loop3A_144 = arith.constant 64 : i32
      %parallel_loop3A_145 = arith.addi %parallel_loop3A_107, %parallel_loop3A_144 : i32
      %parallel_loop3A_146 = arith.index_cast %parallel_loop3A_145 : i32 to index
      %parallel_loop3A_147 = tpu.vector_load %arg5[%parallel_loop3A_146] {strides = array<i32>} : memref<1632xi32, #tpu.memory_space<vmem>>, vector<16xi32>,
      %parallel_loop3A_148 = arith.constant 17 : i32
      %parallel_loop3A_149 = vector.broadcast %parallel_loop3A_148 : i32 to vector<16xi32>
      %parallel_loop3A_150 = arith.muli %parallel_loop3A_147, %parallel_loop3A_149 : vector<16xi32>
      %parallel_loop3A_151 = vector.broadcast %parallel_loop3A_105 : i32 to vector<16xi32>
      %parallel_loop3A_152 = arith.addi %parallel_loop3A_150, %parallel_loop3A_151 : vector<16xi32>
      tpu.vector_store_idx %arg8[%parallel_loop3A_152], %parallel_loop3A_147 : memref<34832xi32, #tpu.memory_space<vmem>>[vector<16xi32>], vector<16xi32>,
      %parallel_loop3A_153 = arith.constant 80 : i32
      %parallel_loop3A_154 = arith.addi %parallel_loop3A_107, %parallel_loop3A_153 : i32
      %parallel_loop3A_155 = arith.index_cast %parallel_loop3A_154 : i32 to index
      %parallel_loop3A_156 = tpu.vector_load %arg5[%parallel_loop3A_155] {strides = array<i32>} : memref<1632xi32, #tpu.memory_space<vmem>>, vector<16xi32>,
      %parallel_loop3A_157 = arith.constant 17 : i32
      %parallel_loop3A_158 = vector.broadcast %parallel_loop3A_157 : i32 to vector<16xi32>
      %parallel_loop3A_159 = arith.muli %parallel_loop3A_156, %parallel_loop3A_158 : vector<16xi32>
      %parallel_loop3A_160 = vector.broadcast %parallel_loop3A_105 : i32 to vector<16xi32>
      %parallel_loop3A_161 = arith.addi %parallel_loop3A_159, %parallel_loop3A_160 : vector<16xi32>
      tpu.vector_store_idx %arg8[%parallel_loop3A_161], %parallel_loop3A_156 : memref<34832xi32, #tpu.memory_space<vmem>>[vector<16xi32>], vector<16xi32>,
      %parallel_loop3A_162 = arith.constant 96 : i32
      %parallel_loop3A_163 = arith.addi %parallel_loop3A_107, %parallel_loop3A_162 : i32
      %parallel_loop3A_164 = arith.index_cast %parallel_loop3A_163 : i32 to index
      %parallel_loop3A_165 = tpu.vector_load %arg5[%parallel_loop3A_164] {strides = array<i32>} : memref<1632xi32, #tpu.memory_space<vmem>>, vector<16xi32>,
      %parallel_loop3A_166 = arith.constant 17 : i32
      %parallel_loop3A_167 = vector.broadcast %parallel_loop3A_166 : i32 to vector<16xi32>
      %parallel_loop3A_168 = arith.muli %parallel_loop3A_165, %parallel_loop3A_167 : vector<16xi32>
      %parallel_loop3A_169 = vector.broadcast %parallel_loop3A_105 : i32 to vector<16xi32>
      %parallel_loop3A_170 = arith.addi %parallel_loop3A_168, %parallel_loop3A_169 : vector<16xi32>
      tpu.vector_store_idx %arg8[%parallel_loop3A_170], %parallel_loop3A_165 masked %lt3A_8 : memref<34832xi32, #tpu.memory_space<vmem>>[vector<16xi32>], vector<16xi32>, vector<16xi1>
    } {sc.loop_unroll_factor = 2 : i64, sc.parallel_access}
    %parallel_loop3A_36 = arith.constant 0 : i32
    %parallel_loop3A_37 = arith.constant 1848 : i32
    %parallel_loop3A_38 = arith.constant 1 : i32
    %parallel_loop3A_39 = scf.for %parallel_loop3A_105 = %parallel_loop3A_36 to %parallel_loop3A_37 step %parallel_loop3A_38 iter_args(%parallel_loop3A_106 = %broadcast_in_dim3A_1) -> (vector<16xi32>)  : i32 {
      %parallel_loop3A_107 = arith.constant 17 : i32
      %parallel_loop3A_108 = arith.muli %parallel_loop3A_105, %parallel_loop3A_107 : i32
      %parallel_loop3A_109 = arith.index_cast %parallel_loop3A_108 : i32 to index
      %parallel_loop3A_110 = tpu.vector_load %arg8[%parallel_loop3A_109] {strides = array<i32>} : memref<34832xi32, #tpu.memory_space<vmem>>, vector<16xi32>,
      %parallel_loop3A_111 = arith.maxsi %parallel_loop3A_106, %parallel_loop3A_110 : vector<16xi32>
      %parallel_loop3A_112 = arith.constant 204 : i32
      %parallel_loop3A_113 = arith.subi %parallel_loop3A_105, %parallel_loop3A_112 : i32
      %parallel_loop3A_114 = vector.broadcast %parallel_loop3A_113 : i32 to vector<16xi32>
      %parallel_loop3A_115 = arith.cmpi sgt, %parallel_loop3A_111, %parallel_loop3A_114 : vector<16xi32>
      %parallel_loop3A_116 = arith.select %parallel_loop3A_115, %broadcast_in_dim3A_3, %broadcast_in_dim3A_1 : vector<16xi1>, vector<16xi32>
      %parallel_loop3A_117 = arith.constant 17 : i32
      %parallel_loop3A_118 = arith.muli %parallel_loop3A_105, %parallel_loop3A_117 : i32
      %parallel_loop3A_119 = arith.index_cast %parallel_loop3A_118 : i32 to index
      %parallel_loop3A_120 = tpu.vector_load %arg8[%parallel_loop3A_119] {strides = array<i32>} : memref<34832xi32, #tpu.memory_space<vmem>>, vector<16xi32>,
      tpu.vector_store %arg8[%parallel_loop3A_119], %parallel_loop3A_116 {strides = array<i32>} : memref<34832xi32, #tpu.memory_space<vmem>>, vector<16xi32>,
      scf.yield %parallel_loop3A_111 : vector<16xi32>
    } {sc.loop_unroll_factor = 8 : i64, sc.parallel_access}
    %parallel_loop3A_40 = arith.constant 1848 : i32
    %parallel_loop3A_41 = arith.constant 2048 : i32
    %parallel_loop3A_42 = arith.constant 1 : i32
    scf.for %parallel_loop3A_105 = %parallel_loop3A_40 to %parallel_loop3A_41 step %parallel_loop3A_42  : i32 {
      %parallel_loop3A_106 = arith.constant 204 : i32
      %parallel_loop3A_107 = arith.subi %parallel_loop3A_105, %parallel_loop3A_106 : i32
      %parallel_loop3A_108 = vector.broadcast %parallel_loop3A_107 : i32 to vector<16xi32>
      %parallel_loop3A_109 = arith.cmpi sgt, %parallel_loop3A_39, %parallel_loop3A_108 : vector<16xi32>
      %parallel_loop3A_110 = arith.select %parallel_loop3A_109, %broadcast_in_dim3A_3, %broadcast_in_dim3A_1 : vector<16xi1>, vector<16xi32>
      %parallel_loop3A_111 = arith.constant 17 : i32
      %parallel_loop3A_112 = arith.muli %parallel_loop3A_105, %parallel_loop3A_111 : i32
      %parallel_loop3A_113 = arith.index_cast %parallel_loop3A_112 : i32 to index
      %parallel_loop3A_114 = tpu.vector_load %arg8[%parallel_loop3A_113] {strides = array<i32>} : memref<34832xi32, #tpu.memory_space<vmem>>, vector<16xi32>,
      tpu.vector_store %arg8[%parallel_loop3A_113], %parallel_loop3A_110 {strides = array<i32>} : memref<34832xi32, #tpu.memory_space<vmem>>, vector<16xi32>,
    } {sc.loop_unroll_factor = 8 : i64, sc.parallel_access}
    %dma_wait3A_43 = arith.constant 0 : i32
    %dma_wait3A_44 = tpu.memref_slice %arg2[%add3A_16, %dma_wait3A_43] : memref<1024x2048xf32, #tpu.memory_space<hbm>> -> memref<16x2048xf32, #tpu.memory_space<hbm>>
    %dma_wait3A_45 = arith.constant 0 : i32
    %dma_wait3A_46 = tpu.memref_slice %arg2[%add3A_16, %dma_wait3A_45] : memref<1024x2048xf32, #tpu.memory_space<hbm>> -> memref<16x2048xf32, #tpu.memory_space<hbm>>
    tpu.wait_dma2 semaphore(%arg10 : memref<!tpu.dma_semaphore, #tpu.memory_space<semaphore_mem>>) src(%dma_wait3A_46 : memref<16x2048xf32, #tpu.memory_space<hbm>>) dst(%arg6 : memref<16x2048xf32, #tpu.memory_space<vmem>>)
    %parallel_loop3A_47 = arith.constant 0 : i32
    %parallel_loop3A_48 = arith.constant 2048 : i32
    %parallel_loop3A_49 = arith.constant 1 : i32
    scf.for %parallel_loop3A_105 = %parallel_loop3A_47 to %parallel_loop3A_48 step %parallel_loop3A_49  : i32 {
      %parallel_loop3A_106 = arith.constant 128 : i32
      %parallel_loop3A_107 = arith.divsi %parallel_loop3A_105, %parallel_loop3A_106 : i32
      %parallel_loop3A_108 = arith.constant 0 : i32
      %parallel_loop3A_109 = arith.cmpi sgt, %parallel_loop3A_105, %parallel_loop3A_108 : i32
      %parallel_loop3A_110 = arith.extui %parallel_loop3A_109 : i1 to i32
      %parallel_loop3A_111 = arith.constant 0 : i32
      %parallel_loop3A_112 = arith.cmpi slt, %parallel_loop3A_105, %parallel_loop3A_111 : i32
      %parallel_loop3A_113 = arith.extui %parallel_loop3A_112 : i1 to i32
      %parallel_loop3A_114 = arith.subi %parallel_loop3A_110, %parallel_loop3A_113 : i32
      %parallel_loop3A_115 = arith.constant 0 : i32
      %parallel_loop3A_116 = arith.cmpi sgt, %parallel_loop3A_106, %parallel_loop3A_115 : i32
      %parallel_loop3A_117 = arith.extui %parallel_loop3A_116 : i1 to i32
      %parallel_loop3A_118 = arith.constant 0 : i32
      %parallel_loop3A_119 = arith.cmpi slt, %parallel_loop3A_106, %parallel_loop3A_118 : i32
      %parallel_loop3A_120 = arith.extui %parallel_loop3A_119 : i1 to i32
      %parallel_loop3A_121 = arith.subi %parallel_loop3A_117, %parallel_loop3A_120 : i32
      %parallel_loop3A_122 = arith.cmpi ne, %parallel_loop3A_114, %parallel_loop3A_121 : i32
      %parallel_loop3A_123 = arith.remsi %parallel_loop3A_105, %parallel_loop3A_106 : i32
      %parallel_loop3A_124 = arith.constant 0 : i32
      %parallel_loop3A_125 = arith.cmpi ne, %parallel_loop3A_123, %parallel_loop3A_124 : i32
      %parallel_loop3A_126 = arith.andi %parallel_loop3A_122, %parallel_loop3A_125 : i1
      %parallel_loop3A_127 = arith.constant 1 : i32
      %parallel_loop3A_128 = arith.subi %parallel_loop3A_107, %parallel_loop3A_127 : i32
      %parallel_loop3A_129 = arith.select %parallel_loop3A_126, %parallel_loop3A_128, %parallel_loop3A_107 : i32
      %parallel_loop3A_130 = arith.constant 128 : i32
      %parallel_loop3A_131 = arith.constant 0 : i32
      %parallel_loop3A_132 = arith.cmpi eq, %parallel_loop3A_130, %parallel_loop3A_131 : i32
      %parallel_loop3A_133 = arith.constant 1 : i32
      %parallel_loop3A_134 = arith.select %parallel_loop3A_132, %parallel_loop3A_133, %parallel_loop3A_130 : i32
      %parallel_loop3A_135 = arith.remsi %parallel_loop3A_105, %parallel_loop3A_134 : i32
      %parallel_loop3A_136 = arith.constant 0 : i32
      %parallel_loop3A_137 = arith.cmpi ne, %parallel_loop3A_135, %parallel_loop3A_136 : i32
      %parallel_loop3A_138 = arith.constant 0 : i32
      %parallel_loop3A_139 = arith.cmpi slt, %parallel_loop3A_135, %parallel_loop3A_138 : i32
      %parallel_loop3A_140 = arith.constant 0 : i32
      %parallel_loop3A_141 = arith.cmpi slt, %parallel_loop3A_134, %parallel_loop3A_140 : i32
      %parallel_loop3A_142 = arith.xori %parallel_loop3A_139, %parallel_loop3A_141 : i1
      %parallel_loop3A_143 = arith.andi %parallel_loop3A_142, %parallel_loop3A_137 : i1
      %parallel_loop3A_144 = arith.addi %parallel_loop3A_135, %parallel_loop3A_134 : i32
      %parallel_loop3A_145 = arith.select %parallel_loop3A_143, %parallel_loop3A_144, %parallel_loop3A_135 : i32
      %parallel_loop3A_146 = arith.constant 272 : i32
      %parallel_loop3A_147 = arith.muli %parallel_loop3A_145, %parallel_loop3A_146 : i32
      %parallel_loop3A_148 = arith.addi %parallel_loop3A_147, %parallel_loop3A_129 : i32
      %parallel_loop3A_149 = vector.broadcast %parallel_loop3A_148 : i32 to vector<16xi32>
      %parallel_loop3A_150 = arith.addi %mul3A_6, %parallel_loop3A_149 : vector<16xi32>
      %parallel_loop3A_151 = tpu.vector_load_idx %arg8[%parallel_loop3A_150] : memref<34832xi32, #tpu.memory_space<vmem>>[vector<16xi32>], vector<16xi32>,
      %parallel_loop3A_152 = arith.constant 16 : i32
      %parallel_loop3A_153 = arith.muli %parallel_loop3A_145, %parallel_loop3A_152 : i32
      %parallel_loop3A_154 = arith.index_cast %parallel_loop3A_129 : i32 to index
      %parallel_loop3A_155 = arith.index_cast %parallel_loop3A_153 : i32 to index
      %parallel_loop3A_156 = tpu.vector_load %arg6[%parallel_loop3A_154, %parallel_loop3A_155] {strides = array<i32>} : memref<16x2048xf32, #tpu.memory_space<vmem>>, vector<16xf32>,
      %parallel_loop3A_157 = arith.constant -4095 : i32
      %parallel_loop3A_158 = vector.broadcast %parallel_loop3A_157 : i32 to vector<16xi32>
      %parallel_loop3A_159 = arith.cmpi eq, %parallel_loop3A_151, %parallel_loop3A_158 : vector<16xi32>
      %parallel_loop3A_160 = arith.select %parallel_loop3A_159, %broadcast_in_dim3A_10, %parallel_loop3A_156 : vector<16xi1>, vector<16xf32>
      %parallel_loop3A_161 = arith.constant 16 : i32
      %parallel_loop3A_162 = arith.muli %parallel_loop3A_145, %parallel_loop3A_161 : i32
      %parallel_loop3A_163 = arith.index_cast %parallel_loop3A_129 : i32 to index
      %parallel_loop3A_164 = arith.index_cast %parallel_loop3A_162 : i32 to index
      %parallel_loop3A_165 = tpu.vector_load %arg7[%parallel_loop3A_163, %parallel_loop3A_164] {strides = array<i32>} : memref<16x2048xf32, #tpu.memory_space<vmem>>, vector<16xf32>,
      tpu.vector_store %arg7[%parallel_loop3A_163, %parallel_loop3A_164], %parallel_loop3A_160 {strides = array<i32>} : memref<16x2048xf32, #tpu.memory_space<vmem>>, vector<16xf32>,
    } {sc.loop_unroll_factor = 8 : i64, sc.parallel_access}
    %dma_start3A_50 = arith.constant 0 : i32
    %dma_start3A_51 = tpu.memref_slice %arg4[%add3A_23, %dma_start3A_50] : memref<1024x2048xf32, #tpu.memory_space<hbm>> -> memref<16x2048xf32, #tpu.memory_space<hbm>>
    %dma_start3A_52 = arith.constant 0 : i32
    %dma_start3A_53 = tpu.memref_slice %arg4[%add3A_23, %dma_start3A_52] : memref<1024x2048xf32, #tpu.memory_space<hbm>> -> memref<16x2048xf32, #tpu.memory_space<hbm>>
    tpu.enqueue_dma source(%arg7 : memref<16x2048xf32, #tpu.memory_space<vmem>>) target(%dma_start3A_53 : memref<16x2048xf32, #tpu.memory_space<hbm>>) target_semaphore(%arg11 : memref<!tpu.dma_semaphore, #tpu.memory_space<semaphore_mem>>)
    %mul3A_54 = arith.constant 32 : i32
    %mul3A_55 = arith.muli %add3A, %mul3A_54 : i32
    %add3A_56 = arith.constant 16 : i32
    %add3A_57 = arith.addi %mul3A_55, %add3A_56 : i32
    %dma_start3A_58 = arith.constant 0 : i32
    %dma_start3A_59 = tpu.memref_slice %arg2[%add3A_57, %dma_start3A_58] : memref<1024x2048xf32, #tpu.memory_space<hbm>> -> memref<16x2048xf32, #tpu.memory_space<hbm>>
    %dma_start3A_60 = arith.constant 0 : i32
    %dma_start3A_61 = tpu.memref_slice %arg2[%add3A_57, %dma_start3A_60] : memref<1024x2048xf32, #tpu.memory_space<hbm>> -> memref<16x2048xf32, #tpu.memory_space<hbm>>
    tpu.enqueue_dma source(%dma_start3A_61 : memref<16x2048xf32, #tpu.memory_space<hbm>>) target(%arg6 : memref<16x2048xf32, #tpu.memory_space<vmem>>) target_semaphore(%arg10 : memref<!tpu.dma_semaphore, #tpu.memory_space<semaphore_mem>>)
    %mul3A_62 = arith.constant 32 : i32
    %mul3A_63 = arith.muli %add3A, %mul3A_62 : i32
    %add3A_64 = arith.constant 16 : i32
    %add3A_65 = arith.addi %mul3A_63, %add3A_64 : i32
    %mul3A_66 = arith.constant 32 : i32
    %mul3A_67 = arith.muli %add3A, %mul3A_66 : i32
    %add3A_68 = arith.constant 16 : i32
    %add3A_69 = arith.addi %mul3A_67, %add3A_68 : i32
    %mul3A_70 = arith.constant 102 : i32
    %mul3A_71 = arith.muli %add3A_69, %mul3A_70 : i32
    %dma_start3A_72 = tpu.memref_slice %arg3[%mul3A_71] : memref<104448xi32, #tpu.memory_space<hbm>> -> memref<1632xi32, #tpu.memory_space<hbm>>
    %dma_start3A_73 = tpu.memref_slice %arg3[%mul3A_71] : memref<104448xi32, #tpu.memory_space<hbm>> -> memref<1632xi32, #tpu.memory_space<hbm>>
    tpu.enqueue_dma source(%dma_start3A_73 : memref<1632xi32, #tpu.memory_space<hbm>>) target(%arg5 : memref<1632xi32, #tpu.memory_space<vmem>>) target_semaphore(%arg9 : memref<!tpu.dma_semaphore, #tpu.memory_space<semaphore_mem>>)
    %dma_wait3A_74 = tpu.memref_slice %arg3[%mul3A_71] : memref<104448xi32, #tpu.memory_space<hbm>> -> memref<1632xi32, #tpu.memory_space<hbm>>
    %dma_wait3A_75 = tpu.memref_slice %arg3[%mul3A_71] : memref<104448xi32, #tpu.memory_space<hbm>> -> memref<1632xi32, #tpu.memory_space<hbm>>
    tpu.wait_dma2 semaphore(%arg9 : memref<!tpu.dma_semaphore, #tpu.memory_space<semaphore_mem>>) src(%dma_wait3A_75 : memref<1632xi32, #tpu.memory_space<hbm>>) dst(%arg5 : memref<1632xi32, #tpu.memory_space<vmem>>)
    %parallel_loop3A_76 = arith.constant 0 : i32
    %parallel_loop3A_77 = arith.constant 16 : i32
    %parallel_loop3A_78 = arith.constant 1 : i32
    scf.for %parallel_loop3A_105 = %parallel_loop3A_76 to %parallel_loop3A_77 step %parallel_loop3A_78  : i32 {
      %parallel_loop3A_106 = arith.constant 102 : i32
      %parallel_loop3A_107 = arith.muli %parallel_loop3A_105, %parallel_loop3A_106 : i32
      %parallel_loop3A_108 = arith.constant 0 : i32
      %parallel_loop3A_109 = arith.addi %parallel_loop3A_107, %parallel_loop3A_108 : i32
      %parallel_loop3A_110 = arith.index_cast %parallel_loop3A_109 : i32 to index
      %parallel_loop3A_111 = tpu.vector_load %arg5[%parallel_loop3A_110] {strides = array<i32>} : memref<1632xi32, #tpu.memory_space<vmem>>, vector<16xi32>,
      %parallel_loop3A_112 = arith.constant 17 : i32
      %parallel_loop3A_113 = vector.broadcast %parallel_loop3A_112 : i32 to vector<16xi32>
      %parallel_loop3A_114 = arith.muli %parallel_loop3A_111, %parallel_loop3A_113 : vector<16xi32>
      %parallel_loop3A_115 = vector.broadcast %parallel_loop3A_105 : i32 to vector<16xi32>
      %parallel_loop3A_116 = arith.addi %parallel_loop3A_114, %parallel_loop3A_115 : vector<16xi32>
      tpu.vector_store_idx %arg8[%parallel_loop3A_116], %parallel_loop3A_111 : memref<34832xi32, #tpu.memory_space<vmem>>[vector<16xi32>], vector<16xi32>,
      %parallel_loop3A_117 = arith.constant 16 : i32
      %parallel_loop3A_118 = arith.addi %parallel_loop3A_107, %parallel_loop3A_117 : i32
      %parallel_loop3A_119 = arith.index_cast %parallel_loop3A_118 : i32 to index
      %parallel_loop3A_120 = tpu.vector_load %arg5[%parallel_loop3A_119] {strides = array<i32>} : memref<1632xi32, #tpu.memory_space<vmem>>, vector<16xi32>,
      %parallel_loop3A_121 = arith.constant 17 : i32
      %parallel_loop3A_122 = vector.broadcast %parallel_loop3A_121 : i32 to vector<16xi32>
      %parallel_loop3A_123 = arith.muli %parallel_loop3A_120, %parallel_loop3A_122 : vector<16xi32>
      %parallel_loop3A_124 = vector.broadcast %parallel_loop3A_105 : i32 to vector<16xi32>
      %parallel_loop3A_125 = arith.addi %parallel_loop3A_123, %parallel_loop3A_124 : vector<16xi32>
      tpu.vector_store_idx %arg8[%parallel_loop3A_125], %parallel_loop3A_120 : memref<34832xi32, #tpu.memory_space<vmem>>[vector<16xi32>], vector<16xi32>,
      %parallel_loop3A_126 = arith.constant 32 : i32
      %parallel_loop3A_127 = arith.addi %parallel_loop3A_107, %parallel_loop3A_126 : i32
      %parallel_loop3A_128 = arith.index_cast %parallel_loop3A_127 : i32 to index
      %parallel_loop3A_129 = tpu.vector_load %arg5[%parallel_loop3A_128] {strides = array<i32>} : memref<1632xi32, #tpu.memory_space<vmem>>, vector<16xi32>,
      %parallel_loop3A_130 = arith.constant 17 : i32
      %parallel_loop3A_131 = vector.broadcast %parallel_loop3A_130 : i32 to vector<16xi32>
      %parallel_loop3A_132 = arith.muli %parallel_loop3A_129, %parallel_loop3A_131 : vector<16xi32>
      %parallel_loop3A_133 = vector.broadcast %parallel_loop3A_105 : i32 to vector<16xi32>
      %parallel_loop3A_134 = arith.addi %parallel_loop3A_132, %parallel_loop3A_133 : vector<16xi32>
      tpu.vector_store_idx %arg8[%parallel_loop3A_134], %parallel_loop3A_129 : memref<34832xi32, #tpu.memory_space<vmem>>[vector<16xi32>], vector<16xi32>,
      %parallel_loop3A_135 = arith.constant 48 : i32
      %parallel_loop3A_136 = arith.addi %parallel_loop3A_107, %parallel_loop3A_135 : i32
      %parallel_loop3A_137 = arith.index_cast %parallel_loop3A_136 : i32 to index
      %parallel_loop3A_138 = tpu.vector_load %arg5[%parallel_loop3A_137] {strides = array<i32>} : memref<1632xi32, #tpu.memory_space<vmem>>, vector<16xi32>,
      %parallel_loop3A_139 = arith.constant 17 : i32
      %parallel_loop3A_140 = vector.broadcast %parallel_loop3A_139 : i32 to vector<16xi32>
      %parallel_loop3A_141 = arith.muli %parallel_loop3A_138, %parallel_loop3A_140 : vector<16xi32>
      %parallel_loop3A_142 = vector.broadcast %parallel_loop3A_105 : i32 to vector<16xi32>
      %parallel_loop3A_143 = arith.addi %parallel_loop3A_141, %parallel_loop3A_142 : vector<16xi32>
      tpu.vector_store_idx %arg8[%parallel_loop3A_143], %parallel_loop3A_138 : memref<34832xi32, #tpu.memory_space<vmem>>[vector<16xi32>], vector<16xi32>,
      %parallel_loop3A_144 = arith.constant 64 : i32
      %parallel_loop3A_145 = arith.addi %parallel_loop3A_107, %parallel_loop3A_144 : i32
      %parallel_loop3A_146 = arith.index_cast %parallel_loop3A_145 : i32 to index
      %parallel_loop3A_147 = tpu.vector_load %arg5[%parallel_loop3A_146] {strides = array<i32>} : memref<1632xi32, #tpu.memory_space<vmem>>, vector<16xi32>,
      %parallel_loop3A_148 = arith.constant 17 : i32
      %parallel_loop3A_149 = vector.broadcast %parallel_loop3A_148 : i32 to vector<16xi32>
      %parallel_loop3A_150 = arith.muli %parallel_loop3A_147, %parallel_loop3A_149 : vector<16xi32>
      %parallel_loop3A_151 = vector.broadcast %parallel_loop3A_105 : i32 to vector<16xi32>
      %parallel_loop3A_152 = arith.addi %parallel_loop3A_150, %parallel_loop3A_151 : vector<16xi32>
      tpu.vector_store_idx %arg8[%parallel_loop3A_152], %parallel_loop3A_147 : memref<34832xi32, #tpu.memory_space<vmem>>[vector<16xi32>], vector<16xi32>,
      %parallel_loop3A_153 = arith.constant 80 : i32
      %parallel_loop3A_154 = arith.addi %parallel_loop3A_107, %parallel_loop3A_153 : i32
      %parallel_loop3A_155 = arith.index_cast %parallel_loop3A_154 : i32 to index
      %parallel_loop3A_156 = tpu.vector_load %arg5[%parallel_loop3A_155] {strides = array<i32>} : memref<1632xi32, #tpu.memory_space<vmem>>, vector<16xi32>,
      %parallel_loop3A_157 = arith.constant 17 : i32
      %parallel_loop3A_158 = vector.broadcast %parallel_loop3A_157 : i32 to vector<16xi32>
      %parallel_loop3A_159 = arith.muli %parallel_loop3A_156, %parallel_loop3A_158 : vector<16xi32>
      %parallel_loop3A_160 = vector.broadcast %parallel_loop3A_105 : i32 to vector<16xi32>
      %parallel_loop3A_161 = arith.addi %parallel_loop3A_159, %parallel_loop3A_160 : vector<16xi32>
      tpu.vector_store_idx %arg8[%parallel_loop3A_161], %parallel_loop3A_156 : memref<34832xi32, #tpu.memory_space<vmem>>[vector<16xi32>], vector<16xi32>,
      %parallel_loop3A_162 = arith.constant 96 : i32
      %parallel_loop3A_163 = arith.addi %parallel_loop3A_107, %parallel_loop3A_162 : i32
      %parallel_loop3A_164 = arith.index_cast %parallel_loop3A_163 : i32 to index
      %parallel_loop3A_165 = tpu.vector_load %arg5[%parallel_loop3A_164] {strides = array<i32>} : memref<1632xi32, #tpu.memory_space<vmem>>, vector<16xi32>,
      %parallel_loop3A_166 = arith.constant 17 : i32
      %parallel_loop3A_167 = vector.broadcast %parallel_loop3A_166 : i32 to vector<16xi32>
      %parallel_loop3A_168 = arith.muli %parallel_loop3A_165, %parallel_loop3A_167 : vector<16xi32>
      %parallel_loop3A_169 = vector.broadcast %parallel_loop3A_105 : i32 to vector<16xi32>
      %parallel_loop3A_170 = arith.addi %parallel_loop3A_168, %parallel_loop3A_169 : vector<16xi32>
      tpu.vector_store_idx %arg8[%parallel_loop3A_170], %parallel_loop3A_165 masked %lt3A_8 : memref<34832xi32, #tpu.memory_space<vmem>>[vector<16xi32>], vector<16xi32>, vector<16xi1>
    } {sc.loop_unroll_factor = 2 : i64, sc.parallel_access}
    %parallel_loop3A_79 = arith.constant 0 : i32
    %parallel_loop3A_80 = arith.constant 1848 : i32
    %parallel_loop3A_81 = arith.constant 1 : i32
    %parallel_loop3A_82 = scf.for %parallel_loop3A_105 = %parallel_loop3A_79 to %parallel_loop3A_80 step %parallel_loop3A_81 iter_args(%parallel_loop3A_106 = %broadcast_in_dim3A_1) -> (vector<16xi32>)  : i32 {
      %parallel_loop3A_107 = arith.constant 17 : i32
      %parallel_loop3A_108 = arith.muli %parallel_loop3A_105, %parallel_loop3A_107 : i32
      %parallel_loop3A_109 = arith.index_cast %parallel_loop3A_108 : i32 to index
      %parallel_loop3A_110 = tpu.vector_load %arg8[%parallel_loop3A_109] {strides = array<i32>} : memref<34832xi32, #tpu.memory_space<vmem>>, vector<16xi32>,
      %parallel_loop3A_111 = arith.maxsi %parallel_loop3A_106, %parallel_loop3A_110 : vector<16xi32>
      %parallel_loop3A_112 = arith.constant 204 : i32
      %parallel_loop3A_113 = arith.subi %parallel_loop3A_105, %parallel_loop3A_112 : i32
      %parallel_loop3A_114 = vector.broadcast %parallel_loop3A_113 : i32 to vector<16xi32>
      %parallel_loop3A_115 = arith.cmpi sgt, %parallel_loop3A_111, %parallel_loop3A_114 : vector<16xi32>
      %parallel_loop3A_116 = arith.select %parallel_loop3A_115, %broadcast_in_dim3A_3, %broadcast_in_dim3A_1 : vector<16xi1>, vector<16xi32>
      %parallel_loop3A_117 = arith.constant 17 : i32
      %parallel_loop3A_118 = arith.muli %parallel_loop3A_105, %parallel_loop3A_117 : i32
      %parallel_loop3A_119 = arith.index_cast %parallel_loop3A_118 : i32 to index
      %parallel_loop3A_120 = tpu.vector_load %arg8[%parallel_loop3A_119] {strides = array<i32>} : memref<34832xi32, #tpu.memory_space<vmem>>, vector<16xi32>,
      tpu.vector_store %arg8[%parallel_loop3A_119], %parallel_loop3A_116 {strides = array<i32>} : memref<34832xi32, #tpu.memory_space<vmem>>, vector<16xi32>,
      scf.yield %parallel_loop3A_111 : vector<16xi32>
    } {sc.loop_unroll_factor = 8 : i64, sc.parallel_access}
    %parallel_loop3A_83 = arith.constant 1848 : i32
    %parallel_loop3A_84 = arith.constant 2048 : i32
    %parallel_loop3A_85 = arith.constant 1 : i32
    scf.for %parallel_loop3A_105 = %parallel_loop3A_83 to %parallel_loop3A_84 step %parallel_loop3A_85  : i32 {
      %parallel_loop3A_106 = arith.constant 204 : i32
      %parallel_loop3A_107 = arith.subi %parallel_loop3A_105, %parallel_loop3A_106 : i32
      %parallel_loop3A_108 = vector.broadcast %parallel_loop3A_107 : i32 to vector<16xi32>
      %parallel_loop3A_109 = arith.cmpi sgt, %parallel_loop3A_82, %parallel_loop3A_108 : vector<16xi32>
      %parallel_loop3A_110 = arith.select %parallel_loop3A_109, %broadcast_in_dim3A_3, %broadcast_in_dim3A_1 : vector<16xi1>, vector<16xi32>
      %parallel_loop3A_111 = arith.constant 17 : i32
      %parallel_loop3A_112 = arith.muli %parallel_loop3A_105, %parallel_loop3A_111 : i32
      %parallel_loop3A_113 = arith.index_cast %parallel_loop3A_112 : i32 to index
      %parallel_loop3A_114 = tpu.vector_load %arg8[%parallel_loop3A_113] {strides = array<i32>} : memref<34832xi32, #tpu.memory_space<vmem>>, vector<16xi32>,
      tpu.vector_store %arg8[%parallel_loop3A_113], %parallel_loop3A_110 {strides = array<i32>} : memref<34832xi32, #tpu.memory_space<vmem>>, vector<16xi32>,
    } {sc.loop_unroll_factor = 8 : i64, sc.parallel_access}
    %dma_wait3A_86 = arith.constant 0 : i32
    %dma_wait3A_87 = tpu.memref_slice %arg2[%add3A_57, %dma_wait3A_86] : memref<1024x2048xf32, #tpu.memory_space<hbm>> -> memref<16x2048xf32, #tpu.memory_space<hbm>>
    %dma_wait3A_88 = arith.constant 0 : i32
    %dma_wait3A_89 = tpu.memref_slice %arg2[%add3A_57, %dma_wait3A_88] : memref<1024x2048xf32, #tpu.memory_space<hbm>> -> memref<16x2048xf32, #tpu.memory_space<hbm>>
    tpu.wait_dma2 semaphore(%arg10 : memref<!tpu.dma_semaphore, #tpu.memory_space<semaphore_mem>>) src(%dma_wait3A_89 : memref<16x2048xf32, #tpu.memory_space<hbm>>) dst(%arg6 : memref<16x2048xf32, #tpu.memory_space<vmem>>)
    %dma_wait3A_90 = arith.constant 0 : i32
    %dma_wait3A_91 = tpu.memref_slice %arg4[%add3A_23, %dma_wait3A_90] : memref<1024x2048xf32, #tpu.memory_space<hbm>> -> memref<16x2048xf32, #tpu.memory_space<hbm>>
    %dma_wait3A_92 = arith.constant 0 : i32
    %dma_wait3A_93 = tpu.memref_slice %arg4[%add3A_23, %dma_wait3A_92] : memref<1024x2048xf32, #tpu.memory_space<hbm>> -> memref<16x2048xf32, #tpu.memory_space<hbm>>
    tpu.wait_dma2 semaphore(%arg11 : memref<!tpu.dma_semaphore, #tpu.memory_space<semaphore_mem>>) src(%arg7 : memref<16x2048xf32, #tpu.memory_space<vmem>>) dst(%dma_wait3A_93 : memref<16x2048xf32, #tpu.memory_space<hbm>>)
    %parallel_loop3A_94 = arith.constant 0 : i32
    %parallel_loop3A_95 = arith.constant 2048 : i32
    %parallel_loop3A_96 = arith.constant 1 : i32
    scf.for %parallel_loop3A_105 = %parallel_loop3A_94 to %parallel_loop3A_95 step %parallel_loop3A_96  : i32 {
      %parallel_loop3A_106 = arith.constant 128 : i32
      %parallel_loop3A_107 = arith.divsi %parallel_loop3A_105, %parallel_loop3A_106 : i32
      %parallel_loop3A_108 = arith.constant 0 : i32
      %parallel_loop3A_109 = arith.cmpi sgt, %parallel_loop3A_105, %parallel_loop3A_108 : i32
      %parallel_loop3A_110 = arith.extui %parallel_loop3A_109 : i1 to i32
      %parallel_loop3A_111 = arith.constant 0 : i32
      %parallel_loop3A_112 = arith.cmpi slt, %parallel_loop3A_105, %parallel_loop3A_111 : i32
      %parallel_loop3A_113 = arith.extui %parallel_loop3A_112 : i1 to i32
      %parallel_loop3A_114 = arith.subi %parallel_loop3A_110, %parallel_loop3A_113 : i32
      %parallel_loop3A_115 = arith.constant 0 : i32
      %parallel_loop3A_116 = arith.cmpi sgt, %parallel_loop3A_106, %parallel_loop3A_115 : i32
      %parallel_loop3A_117 = arith.extui %parallel_loop3A_116 : i1 to i32
      %parallel_loop3A_118 = arith.constant 0 : i32
      %parallel_loop3A_119 = arith.cmpi slt, %parallel_loop3A_106, %parallel_loop3A_118 : i32
      %parallel_loop3A_120 = arith.extui %parallel_loop3A_119 : i1 to i32
      %parallel_loop3A_121 = arith.subi %parallel_loop3A_117, %parallel_loop3A_120 : i32
      %parallel_loop3A_122 = arith.cmpi ne, %parallel_loop3A_114, %parallel_loop3A_121 : i32
      %parallel_loop3A_123 = arith.remsi %parallel_loop3A_105, %parallel_loop3A_106 : i32
      %parallel_loop3A_124 = arith.constant 0 : i32
      %parallel_loop3A_125 = arith.cmpi ne, %parallel_loop3A_123, %parallel_loop3A_124 : i32
      %parallel_loop3A_126 = arith.andi %parallel_loop3A_122, %parallel_loop3A_125 : i1
      %parallel_loop3A_127 = arith.constant 1 : i32
      %parallel_loop3A_128 = arith.subi %parallel_loop3A_107, %parallel_loop3A_127 : i32
      %parallel_loop3A_129 = arith.select %parallel_loop3A_126, %parallel_loop3A_128, %parallel_loop3A_107 : i32
      %parallel_loop3A_130 = arith.constant 128 : i32
      %parallel_loop3A_131 = arith.constant 0 : i32
      %parallel_loop3A_132 = arith.cmpi eq, %parallel_loop3A_130, %parallel_loop3A_131 : i32
      %parallel_loop3A_133 = arith.constant 1 : i32
      %parallel_loop3A_134 = arith.select %parallel_loop3A_132, %parallel_loop3A_133, %parallel_loop3A_130 : i32
      %parallel_loop3A_135 = arith.remsi %parallel_loop3A_105, %parallel_loop3A_134 : i32
      %parallel_loop3A_136 = arith.constant 0 : i32
      %parallel_loop3A_137 = arith.cmpi ne, %parallel_loop3A_135, %parallel_loop3A_136 : i32
      %parallel_loop3A_138 = arith.constant 0 : i32
      %parallel_loop3A_139 = arith.cmpi slt, %parallel_loop3A_135, %parallel_loop3A_138 : i32
      %parallel_loop3A_140 = arith.constant 0 : i32
      %parallel_loop3A_141 = arith.cmpi slt, %parallel_loop3A_134, %parallel_loop3A_140 : i32
      %parallel_loop3A_142 = arith.xori %parallel_loop3A_139, %parallel_loop3A_141 : i1
      %parallel_loop3A_143 = arith.andi %parallel_loop3A_142, %parallel_loop3A_137 : i1
      %parallel_loop3A_144 = arith.addi %parallel_loop3A_135, %parallel_loop3A_134 : i32
      %parallel_loop3A_145 = arith.select %parallel_loop3A_143, %parallel_loop3A_144, %parallel_loop3A_135 : i32
      %parallel_loop3A_146 = arith.constant 272 : i32
      %parallel_loop3A_147 = arith.muli %parallel_loop3A_145, %parallel_loop3A_146 : i32
      %parallel_loop3A_148 = arith.addi %parallel_loop3A_147, %parallel_loop3A_129 : i32
      %parallel_loop3A_149 = vector.broadcast %parallel_loop3A_148 : i32 to vector<16xi32>
      %parallel_loop3A_150 = arith.addi %mul3A_6, %parallel_loop3A_149 : vector<16xi32>
      %parallel_loop3A_151 = tpu.vector_load_idx %arg8[%parallel_loop3A_150] : memref<34832xi32, #tpu.memory_space<vmem>>[vector<16xi32>], vector<16xi32>,
      %parallel_loop3A_152 = arith.constant 16 : i32
      %parallel_loop3A_153 = arith.muli %parallel_loop3A_145, %parallel_loop3A_152 : i32
      %parallel_loop3A_154 = arith.index_cast %parallel_loop3A_129 : i32 to index
      %parallel_loop3A_155 = arith.index_cast %parallel_loop3A_153 : i32 to index
      %parallel_loop3A_156 = tpu.vector_load %arg6[%parallel_loop3A_154, %parallel_loop3A_155] {strides = array<i32>} : memref<16x2048xf32, #tpu.memory_space<vmem>>, vector<16xf32>,
      %parallel_loop3A_157 = arith.constant -4095 : i32
      %parallel_loop3A_158 = vector.broadcast %parallel_loop3A_157 : i32 to vector<16xi32>
      %parallel_loop3A_159 = arith.cmpi eq, %parallel_loop3A_151, %parallel_loop3A_158 : vector<16xi32>
      %parallel_loop3A_160 = arith.select %parallel_loop3A_159, %broadcast_in_dim3A_10, %parallel_loop3A_156 : vector<16xi1>, vector<16xf32>
      %parallel_loop3A_161 = arith.constant 16 : i32
      %parallel_loop3A_162 = arith.muli %parallel_loop3A_145, %parallel_loop3A_161 : i32
      %parallel_loop3A_163 = arith.index_cast %parallel_loop3A_129 : i32 to index
      %parallel_loop3A_164 = arith.index_cast %parallel_loop3A_162 : i32 to index
      %parallel_loop3A_165 = tpu.vector_load %arg7[%parallel_loop3A_163, %parallel_loop3A_164] {strides = array<i32>} : memref<16x2048xf32, #tpu.memory_space<vmem>>, vector<16xf32>,
      tpu.vector_store %arg7[%parallel_loop3A_163, %parallel_loop3A_164], %parallel_loop3A_160 {strides = array<i32>} : memref<16x2048xf32, #tpu.memory_space<vmem>>, vector<16xf32>,
    } {sc.loop_unroll_factor = 8 : i64, sc.parallel_access}
    %dma_start3A_97 = arith.constant 0 : i32
    %dma_start3A_98 = tpu.memref_slice %arg4[%add3A_65, %dma_start3A_97] : memref<1024x2048xf32, #tpu.memory_space<hbm>> -> memref<16x2048xf32, #tpu.memory_space<hbm>>
    %dma_start3A_99 = arith.constant 0 : i32
    %dma_start3A_100 = tpu.memref_slice %arg4[%add3A_65, %dma_start3A_99] : memref<1024x2048xf32, #tpu.memory_space<hbm>> -> memref<16x2048xf32, #tpu.memory_space<hbm>>
    tpu.enqueue_dma source(%arg7 : memref<16x2048xf32, #tpu.memory_space<vmem>>) target(%dma_start3A_100 : memref<16x2048xf32, #tpu.memory_space<hbm>>) target_semaphore(%arg11 : memref<!tpu.dma_semaphore, #tpu.memory_space<semaphore_mem>>)
    %dma_wait3A_101 = arith.constant 0 : i32
    %dma_wait3A_102 = tpu.memref_slice %arg4[%add3A_65, %dma_wait3A_101] : memref<1024x2048xf32, #tpu.memory_space<hbm>> -> memref<16x2048xf32, #tpu.memory_space<hbm>>
    %dma_wait3A_103 = arith.constant 0 : i32
    %dma_wait3A_104 = tpu.memref_slice %arg4[%add3A_65, %dma_wait3A_103] : memref<1024x2048xf32, #tpu.memory_space<hbm>> -> memref<16x2048xf32, #tpu.memory_space<hbm>>
    tpu.wait_dma2 semaphore(%arg11 : memref<!tpu.dma_semaphore, #tpu.memory_space<semaphore_mem>>) src(%arg7 : memref<16x2048xf32, #tpu.memory_space<vmem>>) dst(%dma_wait3A_104 : memref<16x2048xf32, #tpu.memory_space<hbm>>)
    return
  }
}

</mosaic_0001>

<sc_bundles>
// kernel: kernel.3.cloned.1.call-start
scs
__scs_entry_jumppad:
0x0: {  	(pc) =	sbr.rel $0x88, $3  }
0x1: {  	(tag) =	ssettag $0x0;
	lr =	simm.s32 $0x1  }
0x2: {  	[smem:$0x3FA0] =	sst lr;
	_ =	strace $0xD0000000  }
0x3: {  	_ = 	snop  }
0x4: {  	_ = 	snop  }
0x5: {  	_ = 	snop  }
0x6: {  	_ = 	snop  }
0x7: {  	_ = 	snop  }
__scs_overlays_trampoline_lowered:
0x8: {  	[smem:$0x3FAF] =	sst s0  }
0x9: {  	[smem:$0x3FB0] =	sst s1  }
0xa: {  	[smem:$0x3FB1] =	sst s2  }
0xb: {  	[smem:$0x3FB2] =	sst s3  }
0xc: {  	[smem:$0x3FB3] =	sst s4  }
0xd: {  	[smem:$0x3FB4] =	sst s5  }
0xe: {  	[smem:$0x3FB5] =	sst s6  }
0xf: {  	[smem:$0x3FB6] =	sst s7  }
0x10: {  	[smem:$0x3FB7] =	sst s8  }
0x11: {  	[smem:$0x3FB8] =	sst s9;
	s0 =	simm.s32 @!p0 $0x0  }
0x12: {  	s1 =	sld [smem:$0x3F9E];
	s0 =	simm.s32 @p0 $0x1  }
0x13: {  	[smem:$0x3FB9] =	sst s0;
	s0 =	simm.s32 @!p1 $0x0  }
0x14: {  	s2 =	sld [smem:$0x3F9D];
	s0 =	simm.s32 @p1 $0x1  }
0x15: {  	[smem:$0x3FBA] =	sst s0;
	s0 =	simm.s32 @!p2 $0x0  }
0x16: {  	s3 =	sld [smem:$0x3FDB];
	s0 =	simm.s32 @p2 $0x1  }
0x17: {  	s4 =	simm.s32 $0x1BF5;
	[smem:$0x3FBC] =	sst s0  }
0x18: {  	s0 =	sld [smem:$0x3F9F];
	_ =	swait.ge [sflag:s4], $0x0  }
0x19: {  	s7 =	sld [smem:$0x3FA0]  }
0x1a: {  	s8 =	sadd.s32 $0xFFFFE003, lr  }
0x1b: {  	s9 =	sadd.s32 $0xFFFFFEF7, lr;
	s5 =	simm.s32 $0xFFFFFFFF;
	p2 =	slt.u32 s8, $0xFFFFF086  }
0x1c: {  	p1 =	slt.u32 s9, $0xF7A;
	s5 =	simm.s32 @!p2 $0x0  }
0x1d: {  	s5 =	simm.s32 @p1 $0x1;
	p0 =	seq.s32 s7, s2  }
0x1e: {  	s7 =	smul.u32 @!p0 $0xF7A, s2;
	p2 =	seq.s32 @!p0 s5, $0x0  }
0x1f: {  	s9 =	smul.u32 $0xF7A, s1;
	s8 =	simm.s32 @!p0 $0x1BF5;
	p2 =	por !p2, p0  }
0x20: {  	[sflag:s8] =	ssyncset.s32 @!p0 $0xFFFFF086;
	s6 =	sadd.s32 @!p0 s3, s7;
	s7 =	simm.s32 @!p0 $0x108  }
0x21: {  	s3 =	sadd.s32 s3, s9;
	s6 =	sadd.s32 @!p0 $0x88, s6;
	s7 =	simm.s32 @p2 $0x1082  }
0x22: {  	[simem:s7], [sflag:s8] =	dma.local @!p0 [hbm:s6], $0xF7A  }
0x23: {  	s9 =	sor.u32 $0xD0000000, s2;
	s6 =	simm.s32 $0x108;
	_ =	swait.ge @!p0 [sflag:s8], $0x0  }
0x24: {  	s3 =	sadd.s32 $0x88, s3;
	s6 =	simm.s32 @!p1 $0x1082;
	[sflag:s4] =	ssyncset.s32 $0xFFFFF086  }
0x25: {  	[simem:s6], [sflag:s4] =	dma.local [hbm:s3], $0xF7A  }
0x26: {  	[smem:$0x3FA0] =	sst s1;
	(tag) =	ssettag s2;
	_ =	strace s9  }
0x27: {  	s1 =	sld [smem:$0x3FB0]  }
0x28: {  	s2 =	sld [smem:$0x3FB1]  }
0x29: {  	s4 =	sld [smem:$0x3FB3]  }
0x2a: {  	p0 =	seq.s32 s5, $0x0;
	s5 =	sld [smem:$0x3FB4]  }
0x2b: {  	s6 =	sld [smem:$0x3FB5]  }
0x2c: {  	s7 =	sld [smem:$0x3FB6]  }
0x2d: {  	s3 =	simm.s32 $0x108;
	s8 =	sld [smem:$0x3FB7]  }
0x2e: {  	s3 =	simm.s32 @!p0 $0x1082;
	s9 =	sld [smem:$0x3FB8]  }
0x2f: {  	lr =	sadd.s32 s0, s3;
	s0 =	sld [smem:$0x3FAF]  }
0x30: {  	s3 =	sld [smem:$0x3FB2]  }
0x31: {  	[smem:$0x3FBB] =	sst s10  }
0x32: {  	s10 =	sld [smem:$0x3FB9];
	_ =	sdelay $0x3  }
0x33: {  	p0 =	seq.s32 s10, $0x1;
	s10 =	sld [smem:$0x3FBB];
	_ =	sdelay $0x3  }
0x34: {  	[smem:$0x3FBB] =	sst s10  }
0x35: {  	s10 =	sld [smem:$0x3FBA];
	_ =	sdelay $0x3  }
0x36: {  	p1 =	seq.s32 s10, $0x1;
	s10 =	sld [smem:$0x3FBB];
	_ =	sdelay $0x3  }
0x37: {  	[smem:$0x3FBB] =	sst s10  }
0x38: {  	s10 =	sld [smem:$0x3FBC]  }
0x39: {  	_ = 	snop;
	(pc) =	sbr.ind lr, $3  }
0x3a: {  	_ = 	snop  }
0x3b: {  	_ = 	snop  }
0x3c: {  	p2 =	seq.s32 s10, $0x1;
	s10 =	sld [smem:$0x3FBB]  }
0x3d: {  	_ =	shalt  }
0x3e: {  	_ =	shalt  }
0x3f: {  	_ =	shalt  }
0x40: {  	_ =	shalt  }
0x41: {  	_ =	shalt  }
0x42: {  	_ =	shalt  }
0x43: {  	_ =	shalt  }
0x44: {  	_ =	shalt  }
0x45: {  	_ =	shalt  }
0x46: {  	_ =	shalt  }
0x47: {  	_ =	shalt  }
0x48: {  	_ =	shalt  }
0x49: {  	_ =	shalt  }
0x4a: {  	_ =	shalt  }
0x4b: {  	_ =	shalt  }
0x4c: {  	_ =	shalt  }
0x4d: {  	_ =	shalt  }
0x4e: {  	_ =	shalt  }
0x4f: {  	_ =	shalt  }
0x50: {  	_ =	shalt  }
0x51: {  	_ =	shalt  }
0x52: {  	_ =	shalt  }
0x53: {  	_ =	shalt  }
0x54: {  	_ =	shalt  }
0x55: {  	_ =	shalt  }
0x56: {  	_ =	shalt  }
0x57: {  	_ =	shalt  }
0x58: {  	_ =	shalt  }
0x59: {  	_ =	shalt  }
0x5a: {  	_ =	shalt  }
0x5b: {  	_ =	shalt  }
0x5c: {  	_ =	shalt  }
0x5d: {  	_ =	shalt  }
0x5e: {  	_ =	shalt  }
0x5f: {  	_ =	shalt  }
0x60: {  	_ =	shalt  }
0x61: {  	_ =	shalt  }
0x62: {  	_ =	shalt  }
0x63: {  	_ =	shalt  }
0x64: {  	_ =	shalt  }
0x65: {  	_ =	shalt  }
0x66: {  	_ =	shalt  }
0x67: {  	_ =	shalt  }
0x68: {  	_ =	shalt  }
0x69: {  	_ =	shalt  }
0x6a: {  	_ =	shalt  }
0x6b: {  	_ =	shalt  }
0x6c: {  	_ =	shalt  }
0x6d: {  	_ =	shalt  }
0x6e: {  	_ =	shalt  }
0x6f: {  	_ =	shalt  }
0x70: {  	_ =	shalt  }
0x71: {  	_ =	shalt  }
0x72: {  	_ =	shalt  }
0x73: {  	_ =	shalt  }
0x74: {  	_ =	shalt  }
0x75: {  	_ =	shalt  }
0x76: {  	_ =	shalt  }
0x77: {  	_ =	shalt  }
0x78: {  	_ =	shalt  }
0x79: {  	_ =	shalt  }
0x7a: {  	_ =	shalt  }
0x7b: {  	_ =	shalt  }
0x7c: {  	_ =	shalt  }
0x7d: {  	_ =	shalt  }
0x7e: {  	_ =	shalt  }
0x7f: {  	_ =	shalt  }
0x80: {  	_ =	shalt  }
0x81: {  	_ =	shalt  }
0x82: {  	_ =	shalt  }
0x83: {  	_ =	shalt  }
0x84: {  	_ =	shalt  }
0x85: {  	_ =	shalt  }
0x86: {  	_ =	shalt  }
0x87: {  	_ =	shalt  }
.Lfunc_end0:
.L_simem_size_0:
called_computation_lowered:
.L_overlay_start_0:
0x88: {  	s2 =	sld [smem:$0x3FD9]  }
0x89: {  	s3 =	sld [smem:$0x3FFE];
	_ =	sdelay $0x1  }
0x8a: {  	s1 =	srdreg.scid  }
0x8b: {  	s0 =	sand.u32 $0x1, s1  }
0x8c: {  	s17 =	sshll.u32 s0, $0xA;
	s2 =	sadd.s32 s3, s2  }
0x8d: {  	s2 =	sadd.s32 s2, s17  }
0x8e: {  	[smem:$0x3FC7] =	sst s2  }
0x8f: {  	_ = 	snop  }
0x90: {  	s2 =	sld [smem:$0x3FC9]  }
0x91: {  	s18 =	sld [smem:$0x3FD0];
	(tm) =	ssettm $0x1  }
0x92: {  	s4 =	sld [smem:$0x3FFB];
	_ =	sdelay $0x3  }
0x93: {  	_ =	strace s4  }
0x94: {  	s4 =	sld [smem:$0x3FFC];
	_ =	sdelay $0x3  }
0x95: {  	_ =	strace s4  }
0x96: {  	s4 =	sld [smem:$0x3FFD];
	_ =	sdelay $0x3  }
0x97: {  	_ =	strace s4  }
0x98: {  	_ =	strace $0x8FFFFFFF  }
0x99: {  	s19 =	sld [smem:$0x3FDB];
	_ =	sdelay $0x1  }
0x9a: {  	s5 =	simm.s32 $_scs_section_size  }
0x9b: {  	s6 =	simm.s32 $_size__tile_overlayer_lowered;
	s7 =	simm.s32 $_tile_overlayer_lowered  }
0x9c: {  	s22 =	simm.s32 $0x1BFF;
	s21 =	sshll.u32 s7, $0x1;
	s4 =	sadd.s32 s5, s19  }
0x9d: {  	s8 =	simm.s32 $0x0;
	s20 =	sshll.u32 s6, $0x1;
	s6 =	sadd.s32 s21, s4  }
0x9e: {  	[timem:s8], [sflag:s22] =	dma.local [hbm:s6], s20  }
0x9f: {  	_ =	swait.ge [sflag:s22], s20  }
0xa0: {  	s5 =	ssub.s32 $0x0, s20;
	[sflag:s22] =	ssyncset.done $0x0  }
0xa1: {  	[sflag:s22] =	ssyncadd.s32 s5;
	_ =	sdelay $0x1  }
0xa2: {  	s23 =	simm.s32 $0x1B8B  }
0xa3: {  	_ =	swait.ge [sflag:s23], $0x1  }
0xa4: {  	[sflag:s23] =	ssyncset.done $0x0  }
0xa5: {  	s25 =	simm.s32 $0x1B8E;
	s24 =	sld [smem:$0x3FFE];
	[sflag:s23] =	ssyncadd.s32 $0xFFFFFFFF  }
0xa6: {  	s26 =	simm.s32 $execute0_lowered;
	[smem:$0x3FD2] =	sst s25  }
0xa7: {  	s6 =	sshll.u32 s26, $0x1;
	_ =	strace $0x80000046;
	[dreg:$0x1] =	wrdreg $0xFFFFFFFF  }
0xa8: {  	s28 =	simm.s32 $_size_execute0_lowered;
	s4 =	sadd.s32 s4, s6;
	[dreg:$0x0] =	wrdreg $0x0  }
0xa9: {  	s6 =	sshll.u32 s28, $0x1;
	[dreg:$0x2] =	wrdreg s4  }
0xaa: {  	[dreg:$0x3] =	wrdreg s6  }
0xab: {  	[dreg:$0x4] =	wrdreg $0xC0  }
0xac: {  	_ =	task [dreg:s8], $0x5FFFF  }
0xad: {  	[dreg:$0x1] =	wrdreg $0xFFFFFFFF  }
0xae: {  	[dreg:$0x0] =	wrdreg $0x60  }
0xaf: {  	[dreg:$0x2] =	wrdreg s2  }
0xb0: {  	[dreg:$0x3] =	wrdreg s24  }
0xb1: {  	[dreg:$0x4] =	wrdreg s18  }
0xb2: {  	[dreg:$0x5] =	wrdreg $0x9  }
0xb3: {  	_ =	task.clear_ibuf [dreg:s8], $0x6FFFF;
	_ =	strace $0x90000046  }
0xb4: {  	s29 =	simm.s32 $0x9;
	_ =	strace $0x80000048  }
0xb5: {  	_ =	swait.ge [sflag:s29], $0x1  }
0xb6: {  	[sflag:s29] =	ssyncadd.s32 $0xFFFFFFFF  }
0xb7: {  	_ =	strace $0x90000048  }
0xb8: {  	_ =	sfence  }
0xb9: {  	s30 =	sld [smem:$0x0];
	_ =	sdelay $0x2  }
0xba: {  	s31 =	sshll.u32 s1, $0xD;
	s1 =	sshrl.u32 s1, $0x2  }
0xbb: {  	s3 =	sand.u32 $0x4000, s31;
	s1 =	sadd.s32 s1, s30  }
0xbc: {  	s0 =	sor.u32 s3, s0;
	s1 =	sshll.u32 s1, $0x11  }
0xbd: {  	s0 =	sor.u32 s1, s0  }
0xbe: {  	s0 =	sadd.s32 $0x8F2B, s0  }
0xbf: {  	[sflag:s0] =	ssyncadd.remote.s32 $0x1  }
0xc0: {  	_ =	sfence.sel $0xFFFF  }
0xc1: {  	[dreg:$0x0] =	wrdreg $0xFFFFFFFF;
	(pc) =	sbr.abs _section_cstart, $3  }
0xc2: {  	[dreg:$0x1] =	wrdreg $0xFFFFFFFF  }
0xc3: {  	_ =	task.clear_ibuf [dreg:s8], $0x2FFFF;
	_ =	strace $0x9FFFFFFF  }
0xc4: {  	(tm) =	ssettm $0x7FFFFFFF  }
0xc5: {  	_ =	shalt  }
tec
execute0_lowered:
.L_overlay_start_1:
0x0: {  	(tag) =	ssettag $0x1  }
0x1: {  	s0 =	rddreg [dreg:$0x0]  }
0x2: {  	s1 =	rddreg [dreg:$0x1]  }
0x3: {  	s2 =	rddreg [dreg:$0x2];
	s3 =	srdreg.scid  }
0x4: {  	s4 =	stileid.u32;
	s5 =	simm.s32 $0x0;
	s12 =	simm.s32 $0x10680  }
0x5: {  	s13 =	simm.s32 $0x2;
	s15 =	simm.s32 $0x3;
	s16 =	simm.s32 $0x0  }
0x6: {  	s3 =	sand.u32 $0x1, s3;
	s4 =	sshll.u32 s4, $0x1;
	[smem:$0x7FF] =	sst s5  }
0x7: {  	s1 =	sadd.s32 $0xC00, s1;
	s4 =	sor.u32 s3, s4;
	_ =	strace $0x80000047  }
0x8: {  	s3 =	ssub.s32 $0x2, s3;
	s30 =	sshll.u32 s4, $0x5;
	s6 =	smul.u32 $0x198, s4  }
0x9: {  	s7 =	sshrl.u32 s3, $0x1;
	s8 =	sshll.u32 s4, $0xD;
	s5 =	sor.u32 $0x10, s30  }
0xa: {  	s10 =	ssub.s32 s3, s7;
	s3 =	sadd.s32 s0, s8;
	s9 =	smul.u32 $0x66, s5  }
0xb: {  	s4 =	sadd.s32 s1, s6;
	s11 =	sshll.u32 s5, $0x8;
	s5 =	sadd.s32 s2, s8  }
0xc: {  	v1 =	vlaneseq.u32;
	s6 =	sadd.s32 s0, s11;
	s8 =	sadd.s32 s2, s11;
	s31 =	sshrl.u32 s9, $0x3  }
0xd: {  	v0 =	vimm.s32 $0xFFFFF000;
	v1 =	vmul.u32 $0x11, v1;
	s11 =	simm.s32 $0x1;
	s9 =	smax.u32 s10, $0x1;
	s7 =	sadd.s32 s1, s31  }
.LBB2_1:
0xe: {  	s0 =	simm.s32 $0x106C0  }
0xf: {  	[tilespmem:s0+$0xFFFFFFC0] =	vst v0  }
0x10: {  	[tilespmem:s0+$0x30] =	vst v0  }
0x11: {  	[tilespmem:s0+$0x20] =	vst v0  }
0x12: {  	[tilespmem:s0+$0x10] =	vst v0  }
0x13: {  	[tilespmem:s0+$0x0] =	vst v0  }
0x14: {  	[tilespmem:s0+$0xFFFFFFF0] =	vst v0  }
0x15: {  	s1 =	simm.s32 $0x0;
	[tilespmem:s0+$0xFFFFFFE0] =	vst v0  }
.LBB2_2:
0x16: {  	s1 =	sadd.s32 $0x8, s1;
	[tilespmem:s0+$0xFFFFFFD0] =	vst v0;
	s0 =	sadd.s32 $0x80, s0  }
0x17: {  	[tilespmem:s0+$0xFFFFFFC0] =	vst v0;
	p0 =	slt.u32 s1, $0x878  }
0x18: {  	[tilespmem:s0+$0x30] =	vst v0  }
.Ltmp0:
0x19: {  	[tilespmem:s0+$0x20] =	vst v0;
	(pc) =	sbr.rel @p0 .LBB2_2-.Ltmp0, $4  }
0x1a: {  	[tilespmem:s0+$0x10] =	vst v0  }
0x1b: {  	[tilespmem:s0+$0x0] =	vst v0  }
0x1c: {  	[tilespmem:s0+$0xFFFFFFF0] =	vst v0  }
0x1d: {  	[tilespmem:s0+$0xFFFFFFE0] =	vst v0  }
0x1e: {  	[tilespmem:s0+$0xFFFFFFD0] =	vst v0  }
0x1f: {  	s14 =	simm.s32 $0x0;
	s1 =	simm.s32 $0x680;
	[tilespmem:$0x18E80] =	vst v0  }
0x20: {  	[tilespmem:s1], [sflag:$0x2] =	stream.linear.gather [hbm4b:s3+s14], $0x8000, $0x38;
	[tilespmem:$0x18F00] =	vst v63  }
0x21: {  	_ = 	snop  }
0x22: {  	[tilespmem:s14], [sflag:$0x1] =	stream.linear.gather [hbm4b:s4+s14], $0x660, $0x38;
	[tilespmem:$0x18F00] =	vst v63  }
0x23: {  	_ =	swait.ge [sflag:s11], $0x660  }
0x24: {  	[sflag:s11] =	ssyncset.done $0x0  }
0x25: {  	s30 =	simm.s32 $0x66;
	[sflag:s11] =	ssyncadd.s32 $0xFFFFF9A0  }
0x26: {  	v2 =	vld [tilespmem:s30+$0x0]  }
0x27: {  	v3 =	vld [tilespmem:s30+$0xFFFFFF9A];
	_ =	sdelay $0x3  }
0x28: {  	v4 =	vmul.u32 $0x11, v2  }
0x29: {  	s31 =	simm.s32 $0x1;
	v5 =	vmul.u32 $0x11, v3  }
0x2a: {  	v4 =	vadd.s32 s31, v4  }
0x2b: {  	v5 =	vadd.s32 s14, v5;
	_ =	sdelay $0x3  }
0x2c: {  	[tilespmem:v4+s12+$0x0] =	vst.idx.msk $0xffff, v2  }
0x2d: {  	[tilespmem:v5+s12+$0x0] =	vst.idx.msk $0xffff, v3;
	v2 =	vld [tilespmem:s30+$0x10]  }
0x2e: {  	v3 =	vld [tilespmem:s30+$0xFFFFFFAA]  }
0x2f: {  	s19 =	simm.s32 $0x132  }
0x30: {  	v4 =	vld [tilespmem:s19+$0x0]  }
0x31: {  	v5 =	vld [tilespmem:s19+$0xFFFFFF9A]  }
0x32: {  	v6 =	vmul.u32 $0x11, v2  }
0x33: {  	v7 =	vmul.u32 $0x11, v3  }
0x34: {  	v6 =	vadd.s32 s31, v6  }
0x35: {  	v8 =	vmul.u32 $0x11, v4;
	v7 =	vadd.s32 s14, v7  }
0x36: {  	s18 =	simm.s32 $0x3;
	v9 =	vmul.u32 $0x11, v5  }
0x37: {  	s17 =	simm.s32 $0x2;
	v8 =	vadd.s32 s18, v8  }
0x38: {  	v9 =	vadd.s32 s17, v9  }
0x39: {  	[tilespmem:v6+s12+$0x0] =	vst.idx.msk $0xffff, v2  }
0x3a: {  	[tilespmem:v7+s12+$0x0] =	vst.idx.msk $0xffff, v3;
	v2 =	vld [tilespmem:s30+$0x20]  }
0x3b: {  	v3 =	vld [tilespmem:s30+$0xFFFFFFBA]  }
0x3c: {  	[tilespmem:v8+s12+$0x0] =	vst.idx.msk $0xffff, v4  }
0x3d: {  	[tilespmem:v9+s12+$0x0] =	vst.idx.msk $0xffff, v5;
	v4 =	vld [tilespmem:s19+$0x10]  }
0x3e: {  	s22 =	simm.s32 $0x1FE;
	v5 =	vld [tilespmem:s19+$0xFFFFFFAA]  }
0x3f: {  	v6 =	vld [tilespmem:s22+$0xFFFFFF9A];
	v7 =	vmul.u32 $0x11, v2  }
0x40: {  	v9 =	vld [tilespmem:s22+$0x0];
	v8 =	vmul.u32 $0x11, v3  }
0x41: {  	v7 =	vadd.s32 s31, v7  }
0x42: {  	v10 =	vmul.u32 $0x11, v4;
	v8 =	vadd.s32 s14, v8  }
0x43: {  	v11 =	vmul.u32 $0x11, v5  }
0x44: {  	v12 =	vmul.u32 $0x11, v6;
	v10 =	vadd.s32 s18, v10  }
0x45: {  	s20 =	simm.s32 $0x4;
	v13 =	vmul.u32 $0x11, v9;
	v11 =	vadd.s32 s17, v11  }
0x46: {  	s21 =	simm.s32 $0x5;
	v12 =	vadd.s32 s20, v12;
	[tilespmem:v7+s12+$0x0] =	vst.idx.msk $0xffff, v2  }
0x47: {  	[tilespmem:v8+s12+$0x0] =	vst.idx.msk $0xffff, v3;
	v2 =	vadd.s32 s21, v13;
	v3 =	vld [tilespmem:s30+$0x30]  }
0x48: {  	v7 =	vld [tilespmem:s30+$0xFFFFFFCA]  }
0x49: {  	[tilespmem:v10+s12+$0x0] =	vst.idx.msk $0xffff, v4  }
0x4a: {  	[tilespmem:v11+s12+$0x0] =	vst.idx.msk $0xffff, v5;
	v4 =	vld [tilespmem:s19+$0x20]  }
0x4b: {  	[tilespmem:v12+s12+$0x0] =	vst.idx.msk $0xffff, v6;
	v5 =	vld [tilespmem:s19+$0xFFFFFFBA]  }
0x4c: {  	v6 =	vld [tilespmem:s22+$0xFFFFFFAA];
	[tilespmem:v2+s12+$0x0] =	vst.idx.msk $0xffff, v9;
	v2 =	vmul.u32 $0x11, v3  }
0x4d: {  	v8 =	vmul.u32 $0x11, v7;
	v9 =	vld [tilespmem:s22+$0x10]  }
0x4e: {  	s24 =	simm.s32 $0x2CA;
	v2 =	vadd.s32 s31, v2  }
0x4f: {  	v10 =	vld [tilespmem:s24+$0xFFFFFF9A];
	v11 =	vmul.u32 $0x11, v4;
	v8 =	vadd.s32 s14, v8  }
0x50: {  	v13 =	vld [tilespmem:s24+$0x0];
	v12 =	vmul.u32 $0x11, v5  }
0x51: {  	v14 =	vmul.u32 $0x11, v6;
	v11 =	vadd.s32 s18, v11  }
0x52: {  	v12 =	vadd.s32 s17, v12;
	v15 =	vmul.u32 $0x11, v9  }
0x53: {  	v14 =	vadd.s32 s20, v14;
	[tilespmem:v2+s12+$0x0] =	vst.idx.msk $0xffff, v3  }
0x54: {  	[tilespmem:v8+s12+$0x0] =	vst.idx.msk $0xffff, v7;
	v2 =	vmul.u32 $0x11, v10;
	v3 =	vadd.s32 s21, v15;
	v7 =	vld [tilespmem:s30+$0x40]  }
0x55: {  	s23 =	simm.s32 $0x6;
	v15 =	vmul.u32 $0x11, v13;
	v8 =	vld [tilespmem:s30+$0xFFFFFFDA]  }
0x56: {  	s25 =	simm.s32 $0x7;
	[tilespmem:v11+s12+$0x0] =	vst.idx.msk $0xffff, v4;
	v2 =	vadd.s32 s23, v2  }
0x57: {  	[tilespmem:v12+s12+$0x0] =	vst.idx.msk $0xffff, v5;
	v5 =	vld [tilespmem:s19+$0x30];
	v4 =	vadd.s32 s25, v15  }
0x58: {  	[tilespmem:v14+s12+$0x0] =	vst.idx.msk $0xffff, v6;
	v11 =	vld [tilespmem:s19+$0xFFFFFFCA]  }
0x59: {  	v6 =	vld [tilespmem:s22+$0xFFFFFFBA];
	[tilespmem:v3+s12+$0x0] =	vst.idx.msk $0xffff, v9  }
0x5a: {  	v3 =	vmul.u32 $0x11, v7;
	v9 =	vmul.u32 $0x11, v8;
	v12 =	vld [tilespmem:s22+$0x20]  }
0x5b: {  	[tilespmem:v2+s12+$0x0] =	vst.idx.msk $0xffff, v10  }
0x5c: {  	[tilespmem:v4+s12+$0x0] =	vst.idx.msk $0xffff, v13;
	v4 =	vmul.u32 $0x11, v5;
	v2 =	vadd.s32 s31, v3;
	v3 =	vadd.s32 s14, v9;
	v9 =	vld [tilespmem:s24+$0xFFFFFFAA]  }
0x5d: {  	v10 =	vmul.u32 $0x11, v11;
	v13 =	vld [tilespmem:s24+$0x10]  }
0x5e: {  	s28 =	simm.s32 $0x396;
	v14 =	vmul.u32 $0x11, v6;
	v4 =	vadd.s32 s18, v4  }
0x5f: {  	v15 =	vld [tilespmem:s28+$0xFFFFFF9A];
	v10 =	vadd.s32 s17, v10;
	v16 =	vmul.u32 $0x11, v12  }
0x60: {  	v17 =	vld [tilespmem:s28+$0x0];
	v14 =	vadd.s32 s20, v14  }
0x61: {  	[tilespmem:v2+s12+$0x0] =	vst.idx.msk $0xffff, v7;
	v2 =	vmul.u32 $0x11, v9;
	v7 =	vadd.s32 s21, v16  }
0x62: {  	[tilespmem:v3+s12+$0x0] =	vst.idx.msk $0xffff, v8;
	v8 =	vmul.u32 $0x11, v13;
	v3 =	vld [tilespmem:s30+$0x50]  }
0x63: {  	v16 =	vld [tilespmem:s30+$0xFFFFFFEA];
	[tilespmem:v4+s12+$0x0] =	vst.idx.msk $0xffff, v5;
	v2 =	vadd.s32 s23, v2  }
0x64: {  	[tilespmem:v10+s12+$0x0] =	vst.idx.msk $0xffff, v11;
	v4 =	vmul.u32 $0x11, v15;
	v5 =	vadd.s32 s25, v8;
	v8 =	vld [tilespmem:s19+$0x40]  }
0x65: {  	s26 =	simm.s32 $0x8;
	[tilespmem:v14+s12+$0x0] =	vst.idx.msk $0xffff, v6;
	v10 =	vmul.u32 $0x11, v17;
	v11 =	vld [tilespmem:s19+$0xFFFFFFDA]  }
0x66: {  	s29 =	simm.s32 $0x9;
	v6 =	vld [tilespmem:s22+$0xFFFFFFCA];
	v4 =	vadd.s32 s26, v4;
	[tilespmem:v7+s12+$0x0] =	vst.idx.msk $0xffff, v12  }
0x67: {  	v12 =	vadd.s32 s29, v10;
	v7 =	vmul.u32 $0x11, v3;
	v14 =	vld [tilespmem:s22+$0x30]  }
0x68: {  	v10 =	vmul.u32 $0x11, v16;
	[tilespmem:v2+s12+$0x0] =	vst.idx.msk $0xffff, v9  }
0x69: {  	[tilespmem:v5+s12+$0x0] =	vst.idx.msk $0xffff, v13;
	v5 =	vmul.u32 $0x11, v8;
	v2 =	vadd.s32 s31, v7;
	v7 =	vld [tilespmem:s24+$0xFFFFFFBA]  }
0x6a: {  	s1 =	simm.s32 $0x462;
	v13 =	vmul.u32 $0x11, v11;
	v9 =	vadd.s32 s14, v10;
	v18 =	vld [tilespmem:s24+$0x20]  }
0x6b: {  	v10 =	vld [tilespmem:s1+$0xFFFFFF9A];
	[tilespmem:v4+s12+$0x0] =	vst.idx.msk $0xffff, v15;
	v4 =	vmul.u32 $0x11, v6;
	v5 =	vadd.s32 s18, v5  }
0x6c: {  	v13 =	vadd.s32 s17, v13;
	v21 =	vld [tilespmem:s28+$0xFFFFFFAA];
	[tilespmem:v12+s12+$0x0] =	vst.idx.msk $0xffff, v17;
	v12 =	vmul.u32 $0x11, v14  }
0x6d: {  	v17 =	vadd.s32 s20, v4;
	v22 =	vld [tilespmem:s28+$0x10]  }
0x6e: {  	v15 =	vld [tilespmem:s1+$0x0];
	[tilespmem:v2+s12+$0x0] =	vst.idx.msk $0xffff, v3;
	v12 =	vadd.s32 s21, v12  }
0x6f: {  	[tilespmem:v9+s12+$0x0] =	vst.idx.msk $0xffff, v16;
	v4 =	vmul.u32 $0x11, v7;
	v3 =	vld [tilespmem:s30+$0x60]  }
0x70: {  	v9 =	vmul.u32 $0x11, v18;
	v2 =	vld [tilespmem:s30+$0xFFFFFFFA];
	[tilespmem:v5+s12+$0x0] =	vst.idx.msk $0xffff, v8  }
0x71: {  	v8 =	vmul.u32 $0x11, v21;
	[tilespmem:v13+s12+$0x0] =	vst.idx.msk $0xffff, v11;
	v16 =	vadd.s32 s23, v4;
	v4 =	vld [tilespmem:s19+$0x50]  }
0x72: {  	v13 =	vadd.s32 s25, v9;
	[tilespmem:v17+s12+$0x0] =	vst.idx.msk $0xffff, v6;
	v5 =	vld [tilespmem:s19+$0xFFFFFFEA];
	v9 =	vmul.u32 $0x11, v22  }
0x73: {  	v17 =	vadd.s32 s26, v8;
	v8 =	vld [tilespmem:s22+$0xFFFFFFDA];
	[tilespmem:v12+s12+$0x0] =	vst.idx.msk $0xffff, v14  }
0x74: {  	v23 =	vadd.s32 s29, v9;
	v6 =	vmul.u32 $0x11, v3;
	v9 =	vld [tilespmem:s22+$0x40]  }
0x75: {  	v11 =	vmul.u32 $0x11, v10  }
0x76: {  	s30 =	simm.s32 $0xA;
	v14 =	vmul.u32 $0x11, v15;
	v12 =	vmul.u32 $0x11, v2;
	[tilespmem:v16+s12+$0x0] =	vst.idx.msk $0xffff, v7;
	v7 =	vadd.s32 s31, v6  }
0x77: {  	v19 =	vadd.s32 s30, v11;
	[tilespmem:v13+s12+$0x0] =	vst.idx.msk $0xffff, v18;
	v13 =	vmul.u32 $0x11, v4;
	v24 =	vmul.u32 $0x11, v5;
	s31 =	simm.s32 $0xB;
	v11 =	vld [tilespmem:s24+$0xFFFFFFCA]  }
0x78: {  	v6 =	vadd.s32 s14, v12;
	[tilespmem:v17+s12+$0x0] =	vst.idx.msk $0xffff, v21;
	v17 =	vmul.u32 $0x11, v8;
	v20 =	vadd.s32 s31, v14;
	v14 =	vld [tilespmem:s24+$0x30]  }
0x79: {  	s2 =	simm.s32 $0xC;
	s0 =	simm.s32 $0x462;
	v12 =	vadd.s32 s18, v13;
	v16 =	vld [tilespmem:s28+$0xFFFFFFBA];
	v13 =	vadd.s32 s17, v24;
	[tilespmem:v23+s12+$0x0] =	vst.idx.msk $0xffff, v22;
	v18 =	vmul.u32 $0x11, v9  }
.LBB2_4:
0x7a: {  	p0 =	slt.u32 s2, $0xE  }
0x7b: {  	s1 =	sadd.s32 $0xCC, s1;
	v21 =	vld [tilespmem:s28+$0x20];
	[tilespmem:v7+s12+$0x0] =	vst.idx.msk $0x3f, v3;
	s10 =	smov.u32 s2;
	s2 =	sadd.s32 $0x2, s2  }
0x7c: {  	v7 =	vadd.s32 s20, v17;
	[tilespmem:v19+s12+$0x0] =	vst.idx.msk $0xffff, v10;
	v10 =	vld [tilespmem:s1+$0xFFFFFF9A];
	v3 =	vmul.u32 $0x11, v11;
	v17 =	vadd.s32 s21, v18  }
0x7d: {  	v18 =	vld [tilespmem:s0+$0xFFFFFFAA];
	[tilespmem:v20+s12+$0x0] =	vst.idx.msk $0xffff, v15;
	v15 =	vmul.u32 $0x11, v14  }
0x7e: {  	v22 =	vld [tilespmem:s0+$0x10];
	v19 =	vadd.s32 s23, v3;
	[tilespmem:v12+s12+$0x0] =	vst.idx.msk $0xffff, v4  }
0x7f: {  	v4 =	vmul.u32 $0x11, v16;
	v12 =	vadd.s32 s25, v15;
	[tilespmem:v13+s12+$0x0] =	vst.idx.msk $0xffff, v5;
	v3 =	vld [tilespmem:s19+$0x60]  }
0x80: {  	v5 =	vmul.u32 $0x11, v21;
	[tilespmem:v6+s12+$0x0] =	vst.idx.msk $0x3f, v2;
	v2 =	vld [tilespmem:s19+$0xFFFFFFFA];
	s19 =	smov.u32 s22;
	s22 =	smov.u32 s24;
	s24 =	smov.u32 s28  }
0x81: {  	s28 =	smov.u32 s0;
	s0 =	smov.u32 s1;
	v15 =	vld [tilespmem:s1+$0x0];
	v6 =	vadd.s32 s26, v4;
	[tilespmem:v17+s12+$0x0] =	vst.idx.msk $0xffff, v9  }
0x82: {  	v9 =	vmul.u32 $0x11, v18;
	v13 =	vadd.s32 s29, v5;
	[tilespmem:v7+s12+$0x0] =	vst.idx.msk $0xffff, v8;
	v4 =	vld [tilespmem:s19+$0x50]  }
0x83: {  	v7 =	vmul.u32 $0x11, v22;
	[tilespmem:v19+s12+$0x0] =	vst.idx.msk $0xffff, v11;
	v5 =	vld [tilespmem:s19+$0xFFFFFFEA]  }
0x84: {  	v17 =	vadd.s32 s30, v9;
	v8 =	vld [tilespmem:s22+$0xFFFFFFDA];
	[tilespmem:v12+s12+$0x0] =	vst.idx.msk $0xffff, v14;
	v11 =	vmul.u32 $0x11, v3  }
0x85: {  	v12 =	vmul.u32 $0x11, v10;
	v23 =	vadd.s32 s31, v7;
	v9 =	vld [tilespmem:s22+$0x40];
	v14 =	vmul.u32 $0x11, v2  }
.Ltmp1:
0x86: {  	v20 =	vmul.u32 $0x11, v15;
	[tilespmem:v6+s12+$0x0] =	vst.idx.msk $0xffff, v16;
	v7 =	vadd.s32 s18, v11;
	s18 =	smov.u32 s21;
	s21 =	smov.u32 s25;
	(pc) =	sbr.rel @p0 .LBB2_4-.Ltmp1, $4  }
0x87: {  	s14 =	sadd.s32 $0x1, s10;
	v19 =	vadd.s32 s10, v12;
	v11 =	vld [tilespmem:s24+$0xFFFFFFCA];
	[tilespmem:v13+s12+$0x0] =	vst.idx.msk $0xffff, v21;
	v12 =	vmul.u32 $0x11, v4;
	v6 =	vadd.s32 s17, v14;
	s17 =	smov.u32 s20;
	s20 =	smov.u32 s23  }
0x88: {  	s23 =	smov.u32 s26;
	s26 =	smov.u32 s30;
	s30 =	smov.u32 s10;
	v20 =	vadd.s32 s14, v20;
	v14 =	vld [tilespmem:s24+$0x30];
	v13 =	vmul.u32 $0x11, v5  }
0x89: {  	s25 =	smov.u32 s29;
	s29 =	smov.u32 s31;
	s31 =	smov.u32 s14;
	[tilespmem:v17+s12+$0x0] =	vst.idx.msk $0xffff, v18;
	v17 =	vmul.u32 $0x11, v8;
	v12 =	vadd.s32 s18, v12  }
0x8a: {  	v16 =	vld [tilespmem:s28+$0xFFFFFFBA];
	[tilespmem:v23+s12+$0x0] =	vst.idx.msk $0xffff, v22;
	v18 =	vmul.u32 $0x11, v9;
	v13 =	vadd.s32 s17, v13  }
0x8b: {  	_ =	sdelay $0x3  }
0x8c: {  	[tilespmem:v20+s12+$0x0] =	vst.idx.msk $0xffff, v15  }
0x8d: {  	[tilespmem:v19+s12+$0x0] =	vst.idx.msk $0xffff, v10;
	v42 =	vld [tilespmem:s0+$0x10]  }
0x8e: {  	v43 =	vld [tilespmem:s0+$0xFFFFFFAA];
	_ =	sdelay $0x3  }
0x8f: {  	v44 =	vmul.u32 $0x11, v42  }
0x90: {  	v45 =	vmul.u32 $0x11, v43  }
0x91: {  	v19 =	vadd.s32 s31, v44  }
0x92: {  	v20 =	vadd.s32 s30, v45;
	_ =	sdelay $0x2  }
0x93: {  	v21 =	vld [tilespmem:s28+$0x20]  }
0x94: {  	[tilespmem:v19+s12+$0x0] =	vst.idx.msk $0xffff, v42  }
0x95: {  	[tilespmem:v20+s12+$0x0] =	vst.idx.msk $0xffff, v43;
	v10 =	vld [tilespmem:s0+$0x20]  }
0x96: {  	v15 =	vld [tilespmem:s0+$0xFFFFFFBA];
	_ =	sdelay $0x1  }
0x97: {  	v46 =	vmul.u32 $0x11, v21  }
0x98: {  	v47 =	vmul.u32 $0x11, v16  }
0x99: {  	v19 =	vadd.s32 s29, v46;
	v22 =	vmul.u32 $0x11, v10  }
0x9a: {  	v20 =	vadd.s32 s26, v47;
	v23 =	vmul.u32 $0x11, v15  }
0x9b: {  	v22 =	vadd.s32 s31, v22  }
0x9c: {  	v23 =	vadd.s32 s30, v23;
	_ =	sdelay $0x1  }
0x9d: {  	[tilespmem:v19+s12+$0x0] =	vst.idx.msk $0xffff, v21  }
0x9e: {  	[tilespmem:v20+s12+$0x0] =	vst.idx.msk $0xffff, v16;
	v48 =	vld [tilespmem:s28+$0x30]  }
0x9f: {  	v49 =	vld [tilespmem:s28+$0xFFFFFFCA];
	[tilespmem:v22+s12+$0x0] =	vst.idx.msk $0xffff, v10  }
0xa0: {  	[tilespmem:v23+s12+$0x0] =	vst.idx.msk $0xffff, v15;
	v10 =	vld [tilespmem:s0+$0x30]  }
0xa1: {  	v50 =	vmul.u32 $0x11, v14;
	v51 =	vld [tilespmem:s0+$0xFFFFFFCA]  }
0xa2: {  	v52 =	vmul.u32 $0x11, v11  }
0xa3: {  	v53 =	vmul.u32 $0x11, v48;
	v15 =	vadd.s32 s25, v50  }
0xa4: {  	v21 =	vadd.s32 s23, v52;
	v54 =	vmul.u32 $0x11, v49  }
0xa5: {  	v22 =	vadd.s32 s29, v53;
	v24 =	vmul.u32 $0x11, v10  }
0xa6: {  	v23 =	vadd.s32 s26, v54;
	v25 =	vmul.u32 $0x11, v51  }
0xa7: {  	v24 =	vadd.s32 s31, v24  }
0xa8: {  	[tilespmem:v15+s12+$0x0] =	vst.idx.msk $0xffff, v14;
	v55 =	vadd.s32 s30, v25  }
0xa9: {  	[tilespmem:v21+s12+$0x0] =	vst.idx.msk $0xffff, v11;
	v56 =	vld [tilespmem:s24+$0x40]  }
0xaa: {  	v57 =	vld [tilespmem:s24+$0xFFFFFFDA];
	[tilespmem:v22+s12+$0x0] =	vst.idx.msk $0xffff, v48  }
0xab: {  	[tilespmem:v23+s12+$0x0] =	vst.idx.msk $0xffff, v49;
	v16 =	vld [tilespmem:s28+$0x40]  }
0xac: {  	v19 =	vld [tilespmem:s28+$0xFFFFFFDA];
	[tilespmem:v24+s12+$0x0] =	vst.idx.msk $0xffff, v10  }
0xad: {  	[tilespmem:v55+s12+$0x0] =	vst.idx.msk $0xffff, v51;
	v10 =	vld [tilespmem:s0+$0x40]  }
0xae: {  	v58 =	vadd.s32 s21, v18;
	v59 =	vmul.u32 $0x11, v56;
	v20 =	vld [tilespmem:s0+$0xFFFFFFDA]  }
0xaf: {  	v17 =	vadd.s32 s20, v17;
	v60 =	vmul.u32 $0x11, v57  }
0xb0: {  	v61 =	vmul.u32 $0x11, v16;
	v18 =	vadd.s32 s25, v59  }
0xb1: {  	v21 =	vadd.s32 s23, v60;
	v62 =	vmul.u32 $0x11, v19  }
0xb2: {  	v22 =	vadd.s32 s29, v61;
	v63 =	vmul.u32 $0x11, v10  }
0xb3: {  	[tilespmem:v58+s12+$0x0] =	vst.idx.msk $0xffff, v9;
	v28 =	vadd.s32 s26, v62;
	v29 =	vmul.u32 $0x11, v20  }
0xb4: {  	[tilespmem:v17+s12+$0x0] =	vst.idx.msk $0xffff, v8;
	v30 =	vld [tilespmem:s22+$0x50];
	v31 =	vadd.s32 s31, v63  }
0xb5: {  	v32 =	vld [tilespmem:s22+$0xFFFFFFEA];
	[tilespmem:v18+s12+$0x0] =	vst.idx.msk $0xffff, v56;
	v14 =	vadd.s32 s30, v29  }
0xb6: {  	[tilespmem:v21+s12+$0x0] =	vst.idx.msk $0xffff, v57;
	v33 =	vld [tilespmem:s24+$0x50]  }
0xb7: {  	v34 =	vld [tilespmem:s24+$0xFFFFFFEA];
	[tilespmem:v22+s12+$0x0] =	vst.idx.msk $0xffff, v16  }
0xb8: {  	[tilespmem:v28+s12+$0x0] =	vst.idx.msk $0xffff, v19;
	v35 =	vld [tilespmem:s28+$0x50]  }
0xb9: {  	v36 =	vmul.u32 $0x11, v30;
	v19 =	vld [tilespmem:s28+$0xFFFFFFEA];
	[tilespmem:v31+s12+$0x0] =	vst.idx.msk $0xffff, v10  }
0xba: {  	v37 =	vmul.u32 $0x11, v32;
	[tilespmem:v14+s12+$0x0] =	vst.idx.msk $0xffff, v20;
	v38 =	vld [tilespmem:s0+$0x50]  }
0xbb: {  	v16 =	vadd.s32 s21, v36;
	v39 =	vmul.u32 $0x11, v33;
	v20 =	vld [tilespmem:s0+$0xFFFFFFEA]  }
0xbc: {  	v40 =	vmul.u32 $0x11, v34;
	v10 =	vadd.s32 s20, v37  }
0xbd: {  	v41 =	vmul.u32 $0x11, v35;
	v17 =	vadd.s32 s25, v39  }
0xbe: {  	[tilespmem:v12+s12+$0x0] =	vst.idx.msk $0xffff, v4;
	v4 =	vadd.s32 s23, v40;
	v42 =	vmul.u32 $0x11, v19  }
0xbf: {  	[tilespmem:v13+s12+$0x0] =	vst.idx.msk $0xffff, v5;
	v5 =	vld [tilespmem:s19+$0x60];
	v43 =	vadd.s32 s29, v41;
	v44 =	vmul.u32 $0x11, v38  }
0xc0: {  	v45 =	vld [tilespmem:s19+$0xFFFFFFFA];
	[tilespmem:v16+s12+$0x0] =	vst.idx.msk $0xffff, v30;
	v12 =	vadd.s32 s26, v42;
	v46 =	vmul.u32 $0x11, v20  }
0xc1: {  	v47 =	vld [tilespmem:s22+$0x60];
	[tilespmem:v10+s12+$0x0] =	vst.idx.msk $0xffff, v32;
	v48 =	vadd.s32 s31, v44  }
0xc2: {  	[tilespmem:v17+s12+$0x0] =	vst.idx.msk $0xffff, v33;
	v49 =	vld [tilespmem:s22+$0xFFFFFFFA];
	v50 =	vadd.s32 s30, v46  }
0xc3: {  	[tilespmem:v4+s12+$0x0] =	vst.idx.msk $0xffff, v34;
	v4 =	vld [tilespmem:s24+$0x60]  }
0xc4: {  	v51 =	vmul.u32 $0x11, v5;
	v52 =	vld [tilespmem:s24+$0xFFFFFFFA];
	[tilespmem:v43+s12+$0x0] =	vst.idx.msk $0xffff, v35  }
0xc5: {  	v53 =	vmul.u32 $0x11, v45;
	[tilespmem:v12+s12+$0x0] =	vst.idx.msk $0xffff, v19;
	v54 =	vld [tilespmem:s28+$0x60]  }
0xc6: {  	v55 =	vadd.s32 s18, v51;
	v56 =	vmul.u32 $0x11, v47;
	v57 =	vld [tilespmem:s28+$0xFFFFFFFA];
	[tilespmem:v48+s12+$0x0] =	vst.idx.msk $0xffff, v38  }
0xc7: {  	v9 =	vadd.s32 s17, v53;
	v58 =	vmul.u32 $0x11, v49;
	[tilespmem:v50+s12+$0x0] =	vst.idx.msk $0xffff, v20;
	v14 =	vld [tilespmem:s0+$0x60]  }
0xc8: {  	v59 =	vadd.s32 s21, v56;
	v60 =	vmul.u32 $0x11, v4;
	v61 =	vld [tilespmem:s0+$0xFFFFFFFA]  }
0xc9: {  	[tilespmem:v7+s12+$0x0] =	vst.idx.msk $0x3f, v3;
	v7 =	vmul.u32 $0x11, v52;
	v3 =	vadd.s32 s20, v58  }
0xca: {  	[tilespmem:v6+s12+$0x0] =	vst.idx.msk $0x3f, v2;
	v6 =	vmul.u32 $0x11, v54;
	v2 =	vadd.s32 s25, v60  }
0xcb: {  	[tilespmem:v55+s12+$0x0] =	vst.idx.msk $0x3f, v5;
	v5 =	vadd.s32 s23, v7;
	v7 =	vmul.u32 $0x11, v57  }
0xcc: {  	[tilespmem:v9+s12+$0x0] =	vst.idx.msk $0x3f, v45;
	v6 =	vadd.s32 s29, v6;
	v62 =	vmul.u32 $0x11, v14  }
0xcd: {  	[tilespmem:v59+s12+$0x0] =	vst.idx.msk $0x3f, v47;
	v7 =	vadd.s32 s26, v7;
	v63 =	vmul.u32 $0x11, v61  }
0xce: {  	[tilespmem:v3+s12+$0x0] =	vst.idx.msk $0x3f, v49;
	v3 =	vadd.s32 s31, v62  }
0xcf: {  	[tilespmem:v2+s12+$0x0] =	vst.idx.msk $0x3f, v4;
	v2 =	vadd.s32 s30, v63  }
0xd0: {  	[tilespmem:v5+s12+$0x0] =	vst.idx.msk $0x3f, v52  }
0xd1: {  	[tilespmem:v6+s12+$0x0] =	vst.idx.msk $0x3f, v54  }
0xd2: {  	[tilespmem:v7+s12+$0x0] =	vst.idx.msk $0x3f, v57  }
0xd3: {  	[tilespmem:v3+s12+$0x0] =	vst.idx.msk $0x3f, v14  }
0xd4: {  	s0 =	simm.s32 $0x106C4;
	[tilespmem:v2+s12+$0x0] =	vst.idx.msk $0x3f, v61  }
0xd5: {  	v2 =	vld [tilespmem:s0+$0xFFFFFFBC];
	_ =	sdelay $0x1  }
0xd6: {  	v3 =	vld [tilespmem:s0+$0xFFFFFFCD];
	_ =	sdelay $0x1  }
0xd7: {  	v4 =	vimm.s32 $0xFFFFF000;
	v5 =	vld [tilespmem:s0+$0xFFFFFFDE]  }
0xd8: {  	vm0 =	vgt.s32 v4, v2  }
0xd9: {  	v2 =	vsel vm0, v4, v2;
	v4 =	vld [tilespmem:s0+$0xFFFFFFEF]  }
0xda: {  	vm0 =	vgt.s32 v2, v3  }
0xdb: {  	v6 =	vld [tilespmem:s0+$0x0];
	v3 =	vsel vm0, v2, v3  }
0xdc: {  	s1 =	simm.s32 $0xFFFFFF34;
	vm0 =	vgt.s32 v3, v5  }
0xdd: {  	p0 =	por $0x1, $0x1;
	s29 =	simm.s32 $0xFFFFFF35;
	vm1 =	vgt.s32 v2, s1;
	v2 =	vld [tilespmem:s0+$0x11];
	v5 =	vsel vm0, v3, v5  }
.Ltmp2:
0xde: {  	s30 =	simm.s32 $0xFFFFFF36;
	v7 =	vsel vm1, $0xFFFFF001, v0;
	vm0 =	vgt.s32 v3, s29;
	vm1 =	vgt.s32 v5, v4;
	(pc) =	sbr.rel @!p0 .LBB2_7-.Ltmp2, $4  }
0xdf: {  	s31 =	simm.s32 $0xFFFFFF37;
	[tilespmem:s0+$0xFFFFFFBC] =	vst v7;
	v3 =	vsel vm0, $0xFFFFF001, v0;
	vm0 =	vgt.s32 v5, s30;
	v5 =	vsel vm1, v5, v4;
	v4 =	vld [tilespmem:s0+$0x22]  }
0xe0: {  	[tilespmem:s0+$0xFFFFFFCD] =	vst v3;
	v3 =	vsel vm0, $0xFFFFF001, v0;
	vm0 =	vgt.s32 v5, s31;
	vm1 =	vgt.s32 v5, v6  }
0xe1: {  	s10 =	simm.s32 $0xFFFFFF38;
	[tilespmem:s0+$0xFFFFFFDE] =	vst v3;
	v3 =	vld [tilespmem:s0+$0x33];
	v7 =	vsel vm0, $0xFFFFF001, v0;
	v5 =	vsel vm1, v5, v6  }
0xe2: {  	s2 =	simm.s32 $0x0;
	s17 =	simm.s32 $0x1074C;
	s1 =	simm.s32 $0xFFFFFFF8;
	[tilespmem:s0+$0xFFFFFFEF] =	vst v7;
	vm0 =	vgt.s32 v5, s10;
	vm1 =	vgt.s32 v5, v2  }
.LBB2_6:
0xe3: {  	v6 =	vld [tilespmem:s17+$0xFFFFFFBC];
	v7 =	vsel vm0, $0xFFFFF001, v0;
	v2 =	vsel vm1, v5, v2;
	s10 =	sadd.s32 $0xFFFFFF41, s1;
	s14 =	smov.u32 s2;
	s2 =	sadd.s32 $0x8, s2  }
0xe4: {  	p0 =	slt.u32 s2, $0x730;
	[tilespmem:s0+$0x0] =	vst v7;
	vm0 =	vgt.s32 v2, s10;
	vm1 =	vgt.s32 v2, v4  }
0xe5: {  	s10 =	sadd.s32 $0xFFFFFF42, s1;
	v5 =	vld [tilespmem:s17+$0xFFFFFFCD];
	v7 =	vsel vm0, $0xFFFFF001, v0;
	v2 =	vsel vm1, v2, v4  }
0xe6: {  	[tilespmem:s0+$0x11] =	vst v7;
	vm0 =	vgt.s32 v2, s10;
	vm1 =	vgt.s32 v2, v3  }
0xe7: {  	s10 =	sadd.s32 $0xFFFFFF43, s1;
	s1 =	smov.u32 s14;
	v4 =	vld [tilespmem:s17+$0xFFFFFFDE];
	v7 =	vsel vm0, $0xFFFFF001, v0;
	v2 =	vsel vm1, v2, v3  }
0xe8: {  	vm0 =	vgt.s32 v2, v6;
	[tilespmem:s0+$0x22] =	vst v7;
	vm1 =	vgt.s32 v2, s10  }
0xe9: {  	s10 =	sadd.s32 $0xFFFFFF3C, s1;
	v2 =	vsel vm0, v2, v6;
	v3 =	vld [tilespmem:s17+$0xFFFFFFEF];
	v6 =	vsel vm1, $0xFFFFF001, v0  }
0xea: {  	vm0 =	vgt.s32 v2, s10;
	vm1 =	vgt.s32 v2, v5;
	[tilespmem:s0+$0x33] =	vst v6;
	s0 =	smov.u32 s17  }
0xeb: {  	s10 =	sadd.s32 $0xFFFFFF3D, s1;
	v6 =	vsel vm0, $0xFFFFF001, v0;
	v2 =	vsel vm1, v2, v5;
	v5 =	vld [tilespmem:s17+$0x0]  }
0xec: {  	[tilespmem:s17+$0xFFFFFFBC] =	vst v6;
	vm0 =	vgt.s32 v2, s10;
	vm1 =	vgt.s32 v2, v4  }
0xed: {  	s10 =	sadd.s32 $0xFFFFFF3E, s1;
	v6 =	vsel vm0, $0xFFFFF001, v0;
	v4 =	vsel vm1, v2, v4;
	v2 =	vld [tilespmem:s17+$0x11]  }
.Ltmp3:
0xee: {  	[tilespmem:s17+$0xFFFFFFCD] =	vst v6;
	vm0 =	vgt.s32 v4, s10;
	vm1 =	vgt.s32 v4, v3;
	(pc) =	sbr.rel @p0 .LBB2_6-.Ltmp3, $4  }
0xef: {  	s10 =	sadd.s32 $0xFFFFFF3F, s1;
	v6 =	vsel vm0, $0xFFFFF001, v0;
	v3 =	vsel vm1, v4, v3;
	v4 =	vld [tilespmem:s17+$0x22]  }
0xf0: {  	[tilespmem:s17+$0xFFFFFFDE] =	vst v6;
	vm0 =	vgt.s32 v3, s10;
	vm1 =	vgt.s32 v3, v5  }
0xf1: {  	s10 =	sadd.s32 $0xFFFFFF40, s1;
	v6 =	vsel vm0, $0xFFFFF001, v0;
	v5 =	vsel vm1, v3, v5;
	v3 =	vld [tilespmem:s17+$0x33]  }
0xf2: {  	s17 =	sadd.s32 $0x88, s17;
	[tilespmem:s0+$0xFFFFFFEF] =	vst v6;
	vm0 =	vgt.s32 v5, s10;
	vm1 =	vgt.s32 v5, v2  }
.LBB2_7:
0xf3: {  	v2 =	vsel vm1, v5, v2  }
0xf4: {  	vm1 =	vgt.s32 v2, v4  }
0xf5: {  	s2 =	sadd.s32 $0xFFFFFF41, s1;
	v4 =	vsel vm1, v2, v4  }
0xf6: {  	v5 =	vsel vm0, $0xFFFFF001, v0;
	s22 =	sadd.s32 $0xFFFFFF42, s1;
	vm0 =	vgt.s32 v2, s2;
	vm1 =	vgt.s32 v4, v3  }
0xf7: {  	s23 =	sadd.s32 $0xFFFFFF43, s1;
	[tilespmem:s0+$0x0] =	vst v5;
	v5 =	vsel vm0, $0xFFFFF001, v0;
	vm0 =	vgt.s32 v4, s22;
	v2 =	vsel vm1, v4, v3  }
0xf8: {  	s24 =	simm.s32 $0x673;
	[tilespmem:s0+$0x11] =	vst v5;
	v3 =	vsel vm0, $0xFFFFF001, v0;
	vm0 =	vgt.s32 v2, s23  }
0xf9: {  	s25 =	simm.s32 $0x66C;
	[tilespmem:s0+$0x22] =	vst v3;
	v3 =	vsel vm0, $0xFFFFF001, v0;
	vm0 =	vgt.s32 v2, s24  }
0xfa: {  	s26 =	simm.s32 $0x66D;
	vm1 =	vgt.s32 v2, s25;
	[tilespmem:s0+$0x33] =	vst v3;
	s0 =	simm.s32 $0x181AF;
	v3 =	vsel vm0, $0xFFFFF001, v0  }
0xfb: {  	s28 =	simm.s32 $0x66E;
	v4 =	vsel vm1, $0xFFFFF001, v0;
	vm0 =	vgt.s32 v2, s26;
	[tilespmem:s0+$0x0] =	vst v3  }
0xfc: {  	s29 =	simm.s32 $0x66F;
	[tilespmem:s0+$0xFFFFFF89] =	vst v4;
	v3 =	vsel vm0, $0xFFFFF001, v0;
	vm0 =	vgt.s32 v2, s28  }
0xfd: {  	s30 =	simm.s32 $0x670;
	[tilespmem:s0+$0xFFFFFF9A] =	vst v3;
	v3 =	vsel vm0, $0xFFFFF001, v0;
	vm0 =	vgt.s32 v2, s29  }
0xfe: {  	s31 =	simm.s32 $0x671;
	[tilespmem:s0+$0xFFFFFFAB] =	vst v3;
	v3 =	vsel vm0, $0xFFFFF001, v0;
	vm0 =	vgt.s32 v2, s30  }
0xff: {  	s1 =	simm.s32 $0x738;
	s2 =	simm.s32 $0x672;
	[tilespmem:s0+$0xFFFFFFBC] =	vst v3;
	v3 =	vsel vm0, $0xFFFFF001, v0;
	vm0 =	vgt.s32 v2, s31  }
.LBB2_8:
0x100: {  	s10 =	sadd.s32 $0xFFFFFF43, s1;
	[tilespmem:s0+$0xFFFFFFCD] =	vst v3;
	v3 =	vsel vm0, $0xFFFFF001, v0;
	vm0 =	vgt.s32 v2, s2;
	s2 =	smov.u32 s1;
	s1 =	sadd.s32 $0x8, s1  }
0x101: {  	s14 =	sadd.s32 $0xFFFFFF3C, s2;
	vm1 =	vgt.s32 v2, s10;
	p0 =	slt.u32 s1, $0x7F8;
	[tilespmem:s0+$0xFFFFFFDE] =	vst v3;
	v3 =	vsel vm0, $0xFFFFF001, v0  }
0x102: {  	s10 =	sadd.s32 $0xFFFFFF3D, s2;
	vm0 =	vgt.s32 v2, s14;
	v4 =	vsel vm1, $0xFFFFF001, v0;
	[tilespmem:s0+$0xFFFFFFEF] =	vst v3;
	s0 =	sadd.s32 $0x88, s0  }
.Ltmp4:
0x103: {  	v3 =	vsel vm0, $0xFFFFF001, v0;
	vm0 =	vgt.s32 v2, s10;
	s10 =	sadd.s32 $0xFFFFFF3E, s2;
	[tilespmem:s0+$0x0] =	vst v4;
	(pc) =	sbr.rel @p0 .LBB2_8-.Ltmp4, $4  }
0x104: {  	[tilespmem:s0+$0xFFFFFF89] =	vst v3;
	v3 =	vsel vm0, $0xFFFFF001, v0;
	vm0 =	vgt.s32 v2, s10;
	s10 =	sadd.s32 $0xFFFFFF3F, s2  }
0x105: {  	[tilespmem:s0+$0xFFFFFF9A] =	vst v3;
	v3 =	vsel vm0, $0xFFFFF001, v0;
	vm0 =	vgt.s32 v2, s10;
	s10 =	sadd.s32 $0xFFFFFF40, s2  }
0x106: {  	[tilespmem:s0+$0xFFFFFFAB] =	vst v3;
	v3 =	vsel vm0, $0xFFFFF001, v0;
	vm0 =	vgt.s32 v2, s10;
	s10 =	sadd.s32 $0xFFFFFF41, s2  }
0x107: {  	s2 =	sadd.s32 $0xFFFFFF42, s2;
	[tilespmem:s0+$0xFFFFFFBC] =	vst v3;
	v3 =	vsel vm0, $0xFFFFF001, v0;
	vm0 =	vgt.s32 v2, s10  }
0x108: {  	s1 =	simm.s32 $0x0  }
0x109: {  	s10 =	sand.u32 $0x78, s1  }
0x10a: {  	[tilespmem:s0+$0xFFFFFFCD] =	vst v3;
	v3 =	vsel vm0, $0xFFFFF001, v0;
	vm8 =	vgt.s32 v2, s2;
	s14 =	smul.u32 $0x110, s10  }
0x10b: {  	s23 =	simm.s32 $0x0;
	s28 =	simm.s32 $0x0;
	[tilespmem:s0+$0xFFFFFFDE] =	vst v3;
	v2 =	vsel vm8, $0xFFFFF001, v0  }
0x10c: {  	s30 =	simm.s32 $0x0;
	s1 =	sand.u32 $0x380, s1;
	[tilespmem:s0+$0xFFFFFFEF] =	vst v2;
	s2 =	sor.u32 s23, s14  }
0x10d: {  	s0 =	sand.u32 $0x4000, s30;
	_ =	swait.ge [sflag:s13], $0x8000;
	v2 =	vadd.s32 s2, v1;
	s2 =	sand.u32 $0x3C00, s28  }
0x10e: {  	s14 =	sadd.s32 $0x0, s14;
	[sflag:s13] =	ssyncset.done $0x0;
	s2 =	sor.u32 s2, s1  }
0x10f: {  	s24 =	sadd.s32 $0x770, s14;
	[sflag:s13] =	ssyncadd.s32 $0xFFFF8000;
	s2 =	sor.u32 s0, s2  }
0x110: {  	s25 =	sadd.s32 $0x110, s14;
	v3 =	vadd.s32 s24, v1;
	v10 =	vld [tilespmem:s2+$0x6F0]  }
0x111: {  	s26 =	sadd.s32 $0x220, s14;
	v4 =	vadd.s32 s25, v1;
	v14 =	vld [tilespmem:s2+$0x6A0]  }
0x112: {  	s29 =	sadd.s32 $0x330, s14;
	v5 =	vadd.s32 s26, v1;
	v16 =	vld [tilespmem:s2+$0x6B0]  }
0x113: {  	s18 =	sadd.s32 $0x550, s14;
	v6 =	vadd.s32 s29, v1;
	v18 =	vld [tilespmem:s2+$0x6C0]  }
0x114: {  	s17 =	sadd.s32 $0x440, s14;
	v8 =	vadd.s32 s18, v1;
	v7 =	vld.idx.msk [tilespmem:v2+s12+$0x0], $0xffff  }
0x115: {  	v2 =	vadd.s32 s17, v1;
	v3 =	vld.idx.msk [tilespmem:v3+s12+$0x0], $0xffff  }
0x116: {  	v4 =	vld.idx.msk [tilespmem:v4+s12+$0x0], $0xffff  }
0x117: {  	s17 =	simm.s32 $0x8;
	v5 =	vld.idx.msk [tilespmem:v5+s12+$0x0], $0xffff  }
0x118: {  	s14 =	sadd.s32 $0x660, s14;
	v6 =	vld.idx.msk [tilespmem:v6+s12+$0x0], $0xffff;
	s31 =	sand.u32 $0x78, s17  }
0x119: {  	v9 =	vadd.s32 s14, v1;
	v8 =	vld.idx.msk [tilespmem:v8+s12+$0x0], $0xffff;
	s21 =	smul.u32 $0x110, s31  }
0x11a: {  	s22 =	simm.s32 $0x0;
	s10 =	sshll.u32 s10, $0x7;
	s18 =	simm.s32 $0x400;
	v11 =	vld.idx.msk [tilespmem:v2+s12+$0x0], $0xffff  }
0x11b: {  	s0 =	sor.u32 s10, s0;
	s14 =	sor.u32 s22, s21;
	s19 =	sadd.s32 $0x0, s21;
	v2 =	vld [tilespmem:s2+$0x690]  }
0x11c: {  	s26 =	simm.s32 $0x80;
	s0 =	sor.u32 s1, s0;
	v13 =	vadd.s32 s14, v1;
	s1 =	sadd.s32 $0x770, s19;
	vm9 =	veq.s32 v3, $0xFFFFF001;
	vm1 =	veq.s32 v4, $0xFFFFF001;
	v4 =	vld [tilespmem:s2+$0x6D0]  }
0x11d: {  	s20 =	sand.u32 $0x3C00, s18;
	v19 =	vld [tilespmem:s2+$0x6E0];
	s28 =	sand.u32 $0x380, s17;
	s23 =	sadd.s32 $0x110, s19;
	v15 =	vadd.s32 s1, v1;
	vm10 =	veq.s32 v5, $0xFFFFF001;
	v3 =	vsel vm9, $0x0, v10  }
0x11e: {  	v9 =	vld.idx.msk [tilespmem:v9+s12+$0x0], $0xffff;
	s29 =	sor.u32 s20, s28;
	s21 =	sand.u32 $0x4000, s26;
	s24 =	sadd.s32 $0x220, s19;
	v17 =	vadd.s32 s23, v1;
	vm11 =	veq.s32 v6, $0xFFFFF001;
	v5 =	vsel vm10, $0x0, v14;
	[tilespmem:s2+$0x86F0] =	vst v3  }
0x11f: {  	v12 =	vld [tilespmem:s0+$0x680];
	s25 =	sadd.s32 $0x330, s19;
	s1 =	sor.u32 s21, s29;
	v10 =	vadd.s32 s24, v1;
	v6 =	vsel vm11, $0x0, v16;
	[tilespmem:s2+$0x86A0] =	vst v5;
	vm12 =	veq.s32 v11, $0xFFFFF001  }
0x120: {  	s30 =	sadd.s32 $0x440, s19;
	v20 =	vadd.s32 s25, v1;
	vm13 =	veq.s32 v8, $0xFFFFF001;
	v8 =	vld [tilespmem:s1+$0x6F0];
	[tilespmem:s2+$0x86B0] =	vst v6;
	v6 =	vsel vm12, $0x0, v18  }
0x121: {  	s10 =	sshll.u32 s31, $0x7;
	s31 =	sadd.s32 $0x550, s19;
	v3 =	vsel vm1, $0x0, v2;
	v2 =	vld.idx.msk [tilespmem:v13+s12+$0x0], $0xffff;
	[tilespmem:s2+$0x86C0] =	vst v6;
	v6 =	vsel vm13, $0x0, v4;
	v4 =	vadd.s32 s30, v1  }
0x122: {  	vm15 =	veq.s32 v7, $0xFFFFF001;
	s19 =	sadd.s32 $0x660, s19;
	v7 =	vadd.s32 s31, v1;
	[tilespmem:s2+$0x8690] =	vst v3;
	v3 =	vld.idx.msk [tilespmem:v15+s12+$0x0], $0xffff  }
0x123: {  	vm14 =	veq.s32 v9, $0xFFFFF001;
	v5 =	vld.idx.msk [tilespmem:v17+s12+$0x0], $0xffff;
	[tilespmem:s2+$0x86D0] =	vst v6;
	v6 =	vadd.s32 s19, v1  }
0x124: {  	s10 =	sor.u32 s10, s21;
	v63 =	vsel vm14, $0x0, v19;
	v9 =	vld.idx.msk [tilespmem:v10+s12+$0x0], $0xffff  }
0x125: {  	s10 =	sor.u32 s28, s10;
	[tilespmem:s2+$0x86E0] =	vst v63;
	v11 =	vsel vm15, $0x0, v12;
	v10 =	vld.idx.msk [tilespmem:v20+s12+$0x0], $0xffff  }
.LBB2_10:
0x126: {  	s17 =	sadd.s32 $0x8, s17;
	vm0 =	veq.s32 v2, $0xFFFFF001;
	v2 =	vld.idx.msk [tilespmem:v4+s12+$0x0], $0xffff;
	[tilespmem:s0+$0x8680] =	vst v11;
	s0 =	smov.u32 s10  }
0x127: {  	vm2 =	veq.s32 v3, $0xFFFFF001;
	s2 =	sand.u32 $0x78, s17;
	p0 =	slt.u32 s17, $0x7F8;
	v11 =	vld.idx.msk [tilespmem:v7+s12+$0x0], $0xffff  }
0x128: {  	vm1 =	veq.s32 v5, $0xFFFFF001;
	s10 =	smul.u32 $0x110, s2;
	s2 =	sshll.u32 s2, $0x7;
	v3 =	vld.idx.msk [tilespmem:v6+s12+$0x0], $0xffff;
	v4 =	vsel vm2, $0x0, v8  }
0x129: {  	s14 =	sshrl.u32 s17, $0x7;
	v5 =	vld [tilespmem:s0+$0x680];
	[tilespmem:s1+$0x86F0] =	vst v4  }
0x12a: {  	vm2 =	veq.s32 v9, $0xFFFFF001;
	s19 =	sor.u32 s14, s10;
	s10 =	sadd.s32 s14, s10;
	v8 =	vld [tilespmem:s1+$0x690]  }
0x12b: {  	vm3 =	veq.s32 v10, $0xFFFFF001;
	v9 =	vadd.s32 s19, v1;
	s14 =	sadd.s32 $0x110, s10;
	s19 =	sadd.s32 $0x220, s10;
	s20 =	sadd.s32 $0x770, s10;
	v12 =	vld [tilespmem:s1+$0x6A0]  }
0x12c: {  	s21 =	sadd.s32 $0x550, s10;
	v10 =	vadd.s32 s14, v1;
	v13 =	vadd.s32 s19, v1;
	s14 =	sadd.s32 $0x330, s10;
	s19 =	sadd.s32 $0x440, s10;
	v14 =	vadd.s32 s20, v1;
	v15 =	vld [tilespmem:s1+$0x6B0]  }
0x12d: {  	v7 =	vadd.s32 s21, v1;
	s10 =	sadd.s32 $0x660, s10;
	v16 =	vadd.s32 s14, v1;
	v4 =	vadd.s32 s19, v1;
	v17 =	vld [tilespmem:s1+$0x6C0]  }
0x12e: {  	vm4 =	veq.s32 v2, $0xFFFFF001;
	vm5 =	veq.s32 v11, $0xFFFFF001;
	v6 =	vadd.s32 s10, v1;
	v18 =	vld [tilespmem:s1+$0x6D0]  }
0x12f: {  	s18 =	sadd.s32 $0x400, s18;
	v11 =	vsel vm0, $0x0, v5;
	vm0 =	veq.s32 v3, $0xFFFFF001;
	v5 =	vsel vm1, $0x0, v8;
	v19 =	vld [tilespmem:s1+$0x6E0]  }
0x130: {  	s10 =	sshll.u32 s17, $0x4;
	s14 =	sand.u32 $0x380, s17;
	s19 =	sand.u32 $0x3C00, s18;
	v2 =	vld.idx.msk [tilespmem:v9+s12+$0x0], $0xffff;
	[tilespmem:s1+$0x8690] =	vst v5;
	v5 =	vsel vm2, $0x0, v12  }
.Ltmp5:
0x131: {  	s10 =	sand.u32 $0x4000, s10;
	s19 =	sor.u32 s19, s14;
	v3 =	vld.idx.msk [tilespmem:v14+s12+$0x0], $0xffff;
	[tilespmem:s1+$0x86A0] =	vst v5;
	v8 =	vsel vm3, $0x0, v15;
	(pc) =	sbr.rel @p0 .LBB2_10-.Ltmp5, $4  }
0x132: {  	s2 =	sor.u32 s2, s10;
	s19 =	sor.u32 s10, s19;
	v5 =	vld.idx.msk [tilespmem:v10+s12+$0x0], $0xffff;
	[tilespmem:s1+$0x86B0] =	vst v8;
	v9 =	vsel vm4, $0x0, v17  }
0x133: {  	s10 =	sor.u32 s14, s2;
	v8 =	vld [tilespmem:s19+$0x6F0];
	[tilespmem:s1+$0x86C0] =	vst v9;
	v10 =	vsel vm5, $0x0, v18  }
0x134: {  	v9 =	vld.idx.msk [tilespmem:v13+s12+$0x0], $0xffff;
	[tilespmem:s1+$0x86D0] =	vst v10;
	v12 =	vsel vm0, $0x0, v19  }
0x135: {  	v10 =	vld.idx.msk [tilespmem:v16+s12+$0x0], $0xffff;
	[tilespmem:s1+$0x86E0] =	vst v12;
	s1 =	smov.u32 s19  }
0x136: {  	_ =	sdelay $0x3  }
0x137: {  	v4 =	vld.idx.msk [tilespmem:v4+s12+$0x0], $0xffff  }
0x138: {  	v7 =	vld.idx.msk [tilespmem:v7+s12+$0x0], $0xffff  }
0x139: {  	v6 =	vld.idx.msk [tilespmem:v6+s12+$0x0], $0xffff  }
0x13a: {  	v12 =	vld [tilespmem:s1+$0x690]  }
0x13b: {  	v14 =	vld [tilespmem:s1+$0x6B0]  }
0x13c: {  	v13 =	vld [tilespmem:s1+$0x6A0]  }
0x13d: {  	vm0 =	veq.s32 v3, $0xFFFFF001;
	v3 =	vld [tilespmem:s1+$0x6C0]  }
0x13e: {  	[tilespmem:s0+$0x8680] =	vst v11;
	vm1 =	veq.s32 v5, $0xFFFFF001;
	v5 =	vsel vm0, $0x0, v8;
	v8 =	vld [tilespmem:s1+$0x6D0]  }
0x13f: {  	[tilespmem:s1+$0x86F0] =	vst v5;
	vm10 =	veq.s32 v9, $0xFFFFF001;
	v9 =	vld [tilespmem:s1+$0x6E0];
	vm11 =	veq.s32 v10, $0xFFFFF001;
	v5 =	vsel vm1, $0x0, v12  }
0x140: {  	v11 =	vld [tilespmem:s10+$0x680];
	vm12 =	veq.s32 v4, $0xFFFFF001;
	v4 =	vsel vm11, $0x0, v14;
	[tilespmem:s1+$0x8690] =	vst v5  }
0x141: {  	v5 =	vsel vm10, $0x0, v13;
	[tilespmem:s1+$0x86B0] =	vst v4  }
0x142: {  	vm13 =	veq.s32 v7, $0xFFFFF001;
	v3 =	vsel vm12, $0x0, v3;
	[tilespmem:s1+$0x86A0] =	vst v5  }
0x143: {  	vm14 =	veq.s32 v6, $0xFFFFF001;
	[tilespmem:s1+$0x86C0] =	vst v3;
	v3 =	vsel vm13, $0x0, v8  }
0x144: {  	vm15 =	veq.s32 v2, $0xFFFFF001;
	[tilespmem:s1+$0x86D0] =	vst v3;
	v2 =	vsel vm14, $0x0, v9  }
0x145: {  	v3 =	vsel vm15, $0x0, v11;
	[tilespmem:s1+$0x86E0] =	vst v2  }
0x146: {  	s14 =	simm.s32 $0x0;
	s25 =	simm.s32 $0x8680;
	[tilespmem:s10+$0x8680] =	vst v3  }
0x147: {  	[hbm4b:s5+s14] =	stream.linear.scatter [tilespmem:s25], [sflag:$0x3], $0x8000, $0x38;
	[tilespmem:$0x18F00] =	vst v63  }
0x148: {  	s26 =	simm.s32 $0x680  }
0x149: {  	[tilespmem:s26], [sflag:$0x2] =	stream.linear.gather [hbm4b:s6+s14], $0x8000, $0x38;
	[tilespmem:$0x18F00] =	vst v63  }
0x14a: {  	_ = 	snop  }
0x14b: {  	[tilespmem:s14], [sflag:$0x1] =	stream.linear.gather [hbm4b:s7+s14], $0x660, $0x38;
	[tilespmem:$0x18F00] =	vst v63  }
0x14c: {  	_ =	swait.ge [sflag:s11], $0x660  }
0x14d: {  	[sflag:s11] =	ssyncset.done $0x0  }
0x14e: {  	s30 =	simm.s32 $0x66;
	[sflag:s11] =	ssyncadd.s32 $0xFFFFF9A0  }
0x14f: {  	v2 =	vld [tilespmem:s30+$0x0]  }
0x150: {  	v3 =	vld [tilespmem:s30+$0xFFFFFF9A];
	_ =	sdelay $0x3  }
0x151: {  	v4 =	vmul.u32 $0x11, v2  }
0x152: {  	s31 =	simm.s32 $0x1;
	v5 =	vmul.u32 $0x11, v3  }
0x153: {  	v4 =	vadd.s32 s31, v4  }
0x154: {  	v5 =	vadd.s32 s14, v5;
	_ =	sdelay $0x3  }
0x155: {  	[tilespmem:v4+s12+$0x0] =	vst.idx.msk $0xffff, v2  }
0x156: {  	[tilespmem:v5+s12+$0x0] =	vst.idx.msk $0xffff, v3;
	v2 =	vld [tilespmem:s30+$0x10]  }
0x157: {  	v3 =	vld [tilespmem:s30+$0xFFFFFFAA]  }
0x158: {  	s19 =	simm.s32 $0x132  }
0x159: {  	v4 =	vld [tilespmem:s19+$0x0]  }
0x15a: {  	v5 =	vld [tilespmem:s19+$0xFFFFFF9A]  }
0x15b: {  	v6 =	vmul.u32 $0x11, v2  }
0x15c: {  	v7 =	vmul.u32 $0x11, v3  }
0x15d: {  	v6 =	vadd.s32 s31, v6  }
0x15e: {  	v8 =	vmul.u32 $0x11, v4;
	v7 =	vadd.s32 s14, v7  }
0x15f: {  	s18 =	simm.s32 $0x3;
	v9 =	vmul.u32 $0x11, v5  }
0x160: {  	s17 =	simm.s32 $0x2;
	v8 =	vadd.s32 s18, v8  }
0x161: {  	v9 =	vadd.s32 s17, v9  }
0x162: {  	[tilespmem:v6+s12+$0x0] =	vst.idx.msk $0xffff, v2  }
0x163: {  	[tilespmem:v7+s12+$0x0] =	vst.idx.msk $0xffff, v3;
	v2 =	vld [tilespmem:s30+$0x20]  }
0x164: {  	v3 =	vld [tilespmem:s30+$0xFFFFFFBA]  }
0x165: {  	[tilespmem:v8+s12+$0x0] =	vst.idx.msk $0xffff, v4  }
0x166: {  	[tilespmem:v9+s12+$0x0] =	vst.idx.msk $0xffff, v5;
	v4 =	vld [tilespmem:s19+$0x10]  }
0x167: {  	s22 =	simm.s32 $0x1FE;
	v5 =	vld [tilespmem:s19+$0xFFFFFFAA]  }
0x168: {  	v6 =	vld [tilespmem:s22+$0xFFFFFF9A];
	v7 =	vmul.u32 $0x11, v2  }
0x169: {  	v9 =	vld [tilespmem:s22+$0x0];
	v8 =	vmul.u32 $0x11, v3  }
0x16a: {  	v7 =	vadd.s32 s31, v7  }
0x16b: {  	v10 =	vmul.u32 $0x11, v4;
	v8 =	vadd.s32 s14, v8  }
0x16c: {  	v11 =	vmul.u32 $0x11, v5  }
0x16d: {  	v12 =	vmul.u32 $0x11, v6;
	v10 =	vadd.s32 s18, v10  }
0x16e: {  	s20 =	simm.s32 $0x4;
	v13 =	vmul.u32 $0x11, v9;
	v11 =	vadd.s32 s17, v11  }
0x16f: {  	s21 =	simm.s32 $0x5;
	v12 =	vadd.s32 s20, v12;
	[tilespmem:v7+s12+$0x0] =	vst.idx.msk $0xffff, v2  }
0x170: {  	[tilespmem:v8+s12+$0x0] =	vst.idx.msk $0xffff, v3;
	v2 =	vadd.s32 s21, v13;
	v3 =	vld [tilespmem:s30+$0x30]  }
0x171: {  	v7 =	vld [tilespmem:s30+$0xFFFFFFCA]  }
0x172: {  	[tilespmem:v10+s12+$0x0] =	vst.idx.msk $0xffff, v4  }
0x173: {  	[tilespmem:v11+s12+$0x0] =	vst.idx.msk $0xffff, v5;
	v4 =	vld [tilespmem:s19+$0x20]  }
0x174: {  	[tilespmem:v12+s12+$0x0] =	vst.idx.msk $0xffff, v6;
	v5 =	vld [tilespmem:s19+$0xFFFFFFBA]  }
0x175: {  	v6 =	vld [tilespmem:s22+$0xFFFFFFAA];
	[tilespmem:v2+s12+$0x0] =	vst.idx.msk $0xffff, v9;
	v2 =	vmul.u32 $0x11, v3  }
0x176: {  	v8 =	vmul.u32 $0x11, v7;
	v9 =	vld [tilespmem:s22+$0x10]  }
0x177: {  	s24 =	simm.s32 $0x2CA;
	v2 =	vadd.s32 s31, v2  }
0x178: {  	v10 =	vld [tilespmem:s24+$0xFFFFFF9A];
	v11 =	vmul.u32 $0x11, v4;
	v8 =	vadd.s32 s14, v8  }
0x179: {  	v13 =	vld [tilespmem:s24+$0x0];
	v12 =	vmul.u32 $0x11, v5  }
0x17a: {  	v14 =	vmul.u32 $0x11, v6;
	v11 =	vadd.s32 s18, v11  }
0x17b: {  	v12 =	vadd.s32 s17, v12;
	v15 =	vmul.u32 $0x11, v9  }
0x17c: {  	v14 =	vadd.s32 s20, v14;
	[tilespmem:v2+s12+$0x0] =	vst.idx.msk $0xffff, v3  }
0x17d: {  	[tilespmem:v8+s12+$0x0] =	vst.idx.msk $0xffff, v7;
	v2 =	vmul.u32 $0x11, v10;
	v3 =	vadd.s32 s21, v15;
	v7 =	vld [tilespmem:s30+$0x40]  }
0x17e: {  	s23 =	simm.s32 $0x6;
	v15 =	vmul.u32 $0x11, v13;
	v8 =	vld [tilespmem:s30+$0xFFFFFFDA]  }
0x17f: {  	s25 =	simm.s32 $0x7;
	[tilespmem:v11+s12+$0x0] =	vst.idx.msk $0xffff, v4;
	v2 =	vadd.s32 s23, v2  }
0x180: {  	[tilespmem:v12+s12+$0x0] =	vst.idx.msk $0xffff, v5;
	v5 =	vld [tilespmem:s19+$0x30];
	v4 =	vadd.s32 s25, v15  }
0x181: {  	[tilespmem:v14+s12+$0x0] =	vst.idx.msk $0xffff, v6;
	v11 =	vld [tilespmem:s19+$0xFFFFFFCA]  }
0x182: {  	v6 =	vld [tilespmem:s22+$0xFFFFFFBA];
	[tilespmem:v3+s12+$0x0] =	vst.idx.msk $0xffff, v9  }
0x183: {  	v3 =	vmul.u32 $0x11, v7;
	v9 =	vmul.u32 $0x11, v8;
	v12 =	vld [tilespmem:s22+$0x20]  }
0x184: {  	[tilespmem:v2+s12+$0x0] =	vst.idx.msk $0xffff, v10  }
0x185: {  	[tilespmem:v4+s12+$0x0] =	vst.idx.msk $0xffff, v13;
	v4 =	vmul.u32 $0x11, v5;
	v2 =	vadd.s32 s31, v3;
	v3 =	vadd.s32 s14, v9;
	v9 =	vld [tilespmem:s24+$0xFFFFFFAA]  }
0x186: {  	v10 =	vmul.u32 $0x11, v11;
	v13 =	vld [tilespmem:s24+$0x10]  }
0x187: {  	s28 =	simm.s32 $0x396;
	v14 =	vmul.u32 $0x11, v6;
	v4 =	vadd.s32 s18, v4  }
0x188: {  	v15 =	vld [tilespmem:s28+$0xFFFFFF9A];
	v10 =	vadd.s32 s17, v10;
	v16 =	vmul.u32 $0x11, v12  }
0x189: {  	v17 =	vld [tilespmem:s28+$0x0];
	v14 =	vadd.s32 s20, v14  }
0x18a: {  	[tilespmem:v2+s12+$0x0] =	vst.idx.msk $0xffff, v7;
	v2 =	vmul.u32 $0x11, v9;
	v7 =	vadd.s32 s21, v16  }
0x18b: {  	[tilespmem:v3+s12+$0x0] =	vst.idx.msk $0xffff, v8;
	v8 =	vmul.u32 $0x11, v13;
	v3 =	vld [tilespmem:s30+$0x50]  }
0x18c: {  	v16 =	vld [tilespmem:s30+$0xFFFFFFEA];
	[tilespmem:v4+s12+$0x0] =	vst.idx.msk $0xffff, v5;
	v2 =	vadd.s32 s23, v2  }
0x18d: {  	[tilespmem:v10+s12+$0x0] =	vst.idx.msk $0xffff, v11;
	v4 =	vmul.u32 $0x11, v15;
	v5 =	vadd.s32 s25, v8;
	v8 =	vld [tilespmem:s19+$0x40]  }
0x18e: {  	s26 =	simm.s32 $0x8;
	[tilespmem:v14+s12+$0x0] =	vst.idx.msk $0xffff, v6;
	v10 =	vmul.u32 $0x11, v17;
	v11 =	vld [tilespmem:s19+$0xFFFFFFDA]  }
0x18f: {  	s29 =	simm.s32 $0x9;
	v6 =	vld [tilespmem:s22+$0xFFFFFFCA];
	v4 =	vadd.s32 s26, v4;
	[tilespmem:v7+s12+$0x0] =	vst.idx.msk $0xffff, v12  }
0x190: {  	v12 =	vadd.s32 s29, v10;
	v7 =	vmul.u32 $0x11, v3;
	v14 =	vld [tilespmem:s22+$0x30]  }
0x191: {  	v10 =	vmul.u32 $0x11, v16;
	[tilespmem:v2+s12+$0x0] =	vst.idx.msk $0xffff, v9  }
0x192: {  	[tilespmem:v5+s12+$0x0] =	vst.idx.msk $0xffff, v13;
	v5 =	vmul.u32 $0x11, v8;
	v2 =	vadd.s32 s31, v7;
	v7 =	vld [tilespmem:s24+$0xFFFFFFBA]  }
0x193: {  	s1 =	simm.s32 $0x462;
	v13 =	vmul.u32 $0x11, v11;
	v9 =	vadd.s32 s14, v10;
	v18 =	vld [tilespmem:s24+$0x20]  }
0x194: {  	v10 =	vld [tilespmem:s1+$0xFFFFFF9A];
	[tilespmem:v4+s12+$0x0] =	vst.idx.msk $0xffff, v15;
	v4 =	vmul.u32 $0x11, v6;
	v5 =	vadd.s32 s18, v5  }
0x195: {  	v13 =	vadd.s32 s17, v13;
	v21 =	vld [tilespmem:s28+$0xFFFFFFAA];
	[tilespmem:v12+s12+$0x0] =	vst.idx.msk $0xffff, v17;
	v12 =	vmul.u32 $0x11, v14  }
0x196: {  	v17 =	vadd.s32 s20, v4;
	v22 =	vld [tilespmem:s28+$0x10]  }
0x197: {  	v15 =	vld [tilespmem:s1+$0x0];
	[tilespmem:v2+s12+$0x0] =	vst.idx.msk $0xffff, v3;
	v12 =	vadd.s32 s21, v12  }
0x198: {  	[tilespmem:v9+s12+$0x0] =	vst.idx.msk $0xffff, v16;
	v4 =	vmul.u32 $0x11, v7;
	v3 =	vld [tilespmem:s30+$0x60]  }
0x199: {  	v9 =	vmul.u32 $0x11, v18;
	v2 =	vld [tilespmem:s30+$0xFFFFFFFA];
	[tilespmem:v5+s12+$0x0] =	vst.idx.msk $0xffff, v8  }
0x19a: {  	v8 =	vmul.u32 $0x11, v21;
	[tilespmem:v13+s12+$0x0] =	vst.idx.msk $0xffff, v11;
	v16 =	vadd.s32 s23, v4;
	v4 =	vld [tilespmem:s19+$0x50]  }
0x19b: {  	v13 =	vadd.s32 s25, v9;
	[tilespmem:v17+s12+$0x0] =	vst.idx.msk $0xffff, v6;
	v5 =	vld [tilespmem:s19+$0xFFFFFFEA];
	v9 =	vmul.u32 $0x11, v22  }
0x19c: {  	v17 =	vadd.s32 s26, v8;
	v8 =	vld [tilespmem:s22+$0xFFFFFFDA];
	[tilespmem:v12+s12+$0x0] =	vst.idx.msk $0xffff, v14  }
0x19d: {  	v23 =	vadd.s32 s29, v9;
	v6 =	vmul.u32 $0x11, v3;
	v9 =	vld [tilespmem:s22+$0x40]  }
0x19e: {  	v11 =	vmul.u32 $0x11, v10  }
0x19f: {  	s30 =	simm.s32 $0xA;
	v14 =	vmul.u32 $0x11, v15;
	v12 =	vmul.u32 $0x11, v2;
	[tilespmem:v16+s12+$0x0] =	vst.idx.msk $0xffff, v7;
	v7 =	vadd.s32 s31, v6  }
0x1a0: {  	v19 =	vadd.s32 s30, v11;
	[tilespmem:v13+s12+$0x0] =	vst.idx.msk $0xffff, v18;
	v13 =	vmul.u32 $0x11, v4;
	v24 =	vmul.u32 $0x11, v5;
	s31 =	simm.s32 $0xB;
	v11 =	vld [tilespmem:s24+$0xFFFFFFCA]  }
0x1a1: {  	v6 =	vadd.s32 s14, v12;
	[tilespmem:v17+s12+$0x0] =	vst.idx.msk $0xffff, v21;
	v17 =	vmul.u32 $0x11, v8;
	v20 =	vadd.s32 s31, v14;
	v14 =	vld [tilespmem:s24+$0x30]  }
0x1a2: {  	s2 =	simm.s32 $0xC;
	s0 =	simm.s32 $0x462;
	v12 =	vadd.s32 s18, v13;
	v16 =	vld [tilespmem:s28+$0xFFFFFFBA];
	v13 =	vadd.s32 s17, v24;
	[tilespmem:v23+s12+$0x0] =	vst.idx.msk $0xffff, v22;
	v18 =	vmul.u32 $0x11, v9  }
.LBB2_12:
0x1a3: {  	p0 =	slt.u32 s2, $0xE  }
0x1a4: {  	s1 =	sadd.s32 $0xCC, s1;
	v21 =	vld [tilespmem:s28+$0x20];
	[tilespmem:v7+s12+$0x0] =	vst.idx.msk $0x3f, v3;
	s10 =	smov.u32 s2;
	s2 =	sadd.s32 $0x2, s2  }
0x1a5: {  	v7 =	vadd.s32 s20, v17;
	[tilespmem:v19+s12+$0x0] =	vst.idx.msk $0xffff, v10;
	v10 =	vld [tilespmem:s1+$0xFFFFFF9A];
	v3 =	vmul.u32 $0x11, v11;
	v17 =	vadd.s32 s21, v18  }
0x1a6: {  	v18 =	vld [tilespmem:s0+$0xFFFFFFAA];
	[tilespmem:v20+s12+$0x0] =	vst.idx.msk $0xffff, v15;
	v15 =	vmul.u32 $0x11, v14  }
0x1a7: {  	v22 =	vld [tilespmem:s0+$0x10];
	v19 =	vadd.s32 s23, v3;
	[tilespmem:v12+s12+$0x0] =	vst.idx.msk $0xffff, v4  }
0x1a8: {  	v4 =	vmul.u32 $0x11, v16;
	v12 =	vadd.s32 s25, v15;
	[tilespmem:v13+s12+$0x0] =	vst.idx.msk $0xffff, v5;
	v3 =	vld [tilespmem:s19+$0x60]  }
0x1a9: {  	v5 =	vmul.u32 $0x11, v21;
	[tilespmem:v6+s12+$0x0] =	vst.idx.msk $0x3f, v2;
	v2 =	vld [tilespmem:s19+$0xFFFFFFFA];
	s19 =	smov.u32 s22;
	s22 =	smov.u32 s24;
	s24 =	smov.u32 s28  }
0x1aa: {  	s28 =	smov.u32 s0;
	s0 =	smov.u32 s1;
	v15 =	vld [tilespmem:s1+$0x0];
	v6 =	vadd.s32 s26, v4;
	[tilespmem:v17+s12+$0x0] =	vst.idx.msk $0xffff, v9  }
0x1ab: {  	v9 =	vmul.u32 $0x11, v18;
	v13 =	vadd.s32 s29, v5;
	[tilespmem:v7+s12+$0x0] =	vst.idx.msk $0xffff, v8;
	v4 =	vld [tilespmem:s19+$0x50]  }
0x1ac: {  	v7 =	vmul.u32 $0x11, v22;
	[tilespmem:v19+s12+$0x0] =	vst.idx.msk $0xffff, v11;
	v5 =	vld [tilespmem:s19+$0xFFFFFFEA]  }
0x1ad: {  	v17 =	vadd.s32 s30, v9;
	v8 =	vld [tilespmem:s22+$0xFFFFFFDA];
	[tilespmem:v12+s12+$0x0] =	vst.idx.msk $0xffff, v14;
	v11 =	vmul.u32 $0x11, v3  }
0x1ae: {  	v12 =	vmul.u32 $0x11, v10;
	v23 =	vadd.s32 s31, v7;
	v9 =	vld [tilespmem:s22+$0x40];
	v14 =	vmul.u32 $0x11, v2  }
.Ltmp6:
0x1af: {  	v20 =	vmul.u32 $0x11, v15;
	[tilespmem:v6+s12+$0x0] =	vst.idx.msk $0xffff, v16;
	v7 =	vadd.s32 s18, v11;
	s18 =	smov.u32 s21;
	s21 =	smov.u32 s25;
	(pc) =	sbr.rel @p0 .LBB2_12-.Ltmp6, $4  }
0x1b0: {  	s14 =	sadd.s32 $0x1, s10;
	v19 =	vadd.s32 s10, v12;
	v11 =	vld [tilespmem:s24+$0xFFFFFFCA];
	[tilespmem:v13+s12+$0x0] =	vst.idx.msk $0xffff, v21;
	v12 =	vmul.u32 $0x11, v4;
	v6 =	vadd.s32 s17, v14;
	s17 =	smov.u32 s20;
	s20 =	smov.u32 s23  }
0x1b1: {  	s23 =	smov.u32 s26;
	s26 =	smov.u32 s30;
	s30 =	smov.u32 s10;
	v20 =	vadd.s32 s14, v20;
	v14 =	vld [tilespmem:s24+$0x30];
	v13 =	vmul.u32 $0x11, v5  }
0x1b2: {  	s25 =	smov.u32 s29;
	s29 =	smov.u32 s31;
	s31 =	smov.u32 s14;
	[tilespmem:v17+s12+$0x0] =	vst.idx.msk $0xffff, v18;
	v17 =	vmul.u32 $0x11, v8;
	v12 =	vadd.s32 s18, v12  }
0x1b3: {  	v16 =	vld [tilespmem:s28+$0xFFFFFFBA];
	[tilespmem:v23+s12+$0x0] =	vst.idx.msk $0xffff, v22;
	v18 =	vmul.u32 $0x11, v9;
	v13 =	vadd.s32 s17, v13  }
0x1b4: {  	_ =	sdelay $0x3  }
0x1b5: {  	[tilespmem:v20+s12+$0x0] =	vst.idx.msk $0xffff, v15  }
0x1b6: {  	[tilespmem:v19+s12+$0x0] =	vst.idx.msk $0xffff, v10;
	v42 =	vld [tilespmem:s0+$0x10]  }
0x1b7: {  	v43 =	vld [tilespmem:s0+$0xFFFFFFAA];
	_ =	sdelay $0x3  }
0x1b8: {  	v44 =	vmul.u32 $0x11, v42  }
0x1b9: {  	v45 =	vmul.u32 $0x11, v43  }
0x1ba: {  	v19 =	vadd.s32 s31, v44  }
0x1bb: {  	v20 =	vadd.s32 s30, v45;
	_ =	sdelay $0x2  }
0x1bc: {  	v21 =	vld [tilespmem:s28+$0x20]  }
0x1bd: {  	[tilespmem:v19+s12+$0x0] =	vst.idx.msk $0xffff, v42  }
0x1be: {  	[tilespmem:v20+s12+$0x0] =	vst.idx.msk $0xffff, v43;
	v10 =	vld [tilespmem:s0+$0x20]  }
0x1bf: {  	v15 =	vld [tilespmem:s0+$0xFFFFFFBA];
	_ =	sdelay $0x1  }
0x1c0: {  	v46 =	vmul.u32 $0x11, v21  }
0x1c1: {  	v47 =	vmul.u32 $0x11, v16  }
0x1c2: {  	v19 =	vadd.s32 s29, v46;
	v22 =	vmul.u32 $0x11, v10  }
0x1c3: {  	v20 =	vadd.s32 s26, v47;
	v23 =	vmul.u32 $0x11, v15  }
0x1c4: {  	v22 =	vadd.s32 s31, v22  }
0x1c5: {  	v23 =	vadd.s32 s30, v23;
	_ =	sdelay $0x1  }
0x1c6: {  	[tilespmem:v19+s12+$0x0] =	vst.idx.msk $0xffff, v21  }
0x1c7: {  	[tilespmem:v20+s12+$0x0] =	vst.idx.msk $0xffff, v16;
	v48 =	vld [tilespmem:s28+$0x30]  }
0x1c8: {  	v49 =	vld [tilespmem:s28+$0xFFFFFFCA];
	[tilespmem:v22+s12+$0x0] =	vst.idx.msk $0xffff, v10  }
0x1c9: {  	[tilespmem:v23+s12+$0x0] =	vst.idx.msk $0xffff, v15;
	v10 =	vld [tilespmem:s0+$0x30]  }
0x1ca: {  	v50 =	vmul.u32 $0x11, v14;
	v51 =	vld [tilespmem:s0+$0xFFFFFFCA]  }
0x1cb: {  	v52 =	vmul.u32 $0x11, v11  }
0x1cc: {  	v53 =	vmul.u32 $0x11, v48;
	v15 =	vadd.s32 s25, v50  }
0x1cd: {  	v21 =	vadd.s32 s23, v52;
	v54 =	vmul.u32 $0x11, v49  }
0x1ce: {  	v22 =	vadd.s32 s29, v53;
	v24 =	vmul.u32 $0x11, v10  }
0x1cf: {  	v23 =	vadd.s32 s26, v54;
	v25 =	vmul.u32 $0x11, v51  }
0x1d0: {  	v24 =	vadd.s32 s31, v24  }
0x1d1: {  	[tilespmem:v15+s12+$0x0] =	vst.idx.msk $0xffff, v14;
	v55 =	vadd.s32 s30, v25  }
0x1d2: {  	[tilespmem:v21+s12+$0x0] =	vst.idx.msk $0xffff, v11;
	v56 =	vld [tilespmem:s24+$0x40]  }
0x1d3: {  	v57 =	vld [tilespmem:s24+$0xFFFFFFDA];
	[tilespmem:v22+s12+$0x0] =	vst.idx.msk $0xffff, v48  }
0x1d4: {  	[tilespmem:v23+s12+$0x0] =	vst.idx.msk $0xffff, v49;
	v16 =	vld [tilespmem:s28+$0x40]  }
0x1d5: {  	v19 =	vld [tilespmem:s28+$0xFFFFFFDA];
	[tilespmem:v24+s12+$0x0] =	vst.idx.msk $0xffff, v10  }
0x1d6: {  	[tilespmem:v55+s12+$0x0] =	vst.idx.msk $0xffff, v51;
	v10 =	vld [tilespmem:s0+$0x40]  }
0x1d7: {  	v58 =	vadd.s32 s21, v18;
	v59 =	vmul.u32 $0x11, v56;
	v20 =	vld [tilespmem:s0+$0xFFFFFFDA]  }
0x1d8: {  	v17 =	vadd.s32 s20, v17;
	v60 =	vmul.u32 $0x11, v57  }
0x1d9: {  	v61 =	vmul.u32 $0x11, v16;
	v18 =	vadd.s32 s25, v59  }
0x1da: {  	v21 =	vadd.s32 s23, v60;
	v62 =	vmul.u32 $0x11, v19  }
0x1db: {  	v22 =	vadd.s32 s29, v61;
	v63 =	vmul.u32 $0x11, v10  }
0x1dc: {  	[tilespmem:v58+s12+$0x0] =	vst.idx.msk $0xffff, v9;
	v28 =	vadd.s32 s26, v62;
	v29 =	vmul.u32 $0x11, v20  }
0x1dd: {  	[tilespmem:v17+s12+$0x0] =	vst.idx.msk $0xffff, v8;
	v30 =	vld [tilespmem:s22+$0x50];
	v31 =	vadd.s32 s31, v63  }
0x1de: {  	v32 =	vld [tilespmem:s22+$0xFFFFFFEA];
	[tilespmem:v18+s12+$0x0] =	vst.idx.msk $0xffff, v56;
	v14 =	vadd.s32 s30, v29  }
0x1df: {  	[tilespmem:v21+s12+$0x0] =	vst.idx.msk $0xffff, v57;
	v33 =	vld [tilespmem:s24+$0x50]  }
0x1e0: {  	v34 =	vld [tilespmem:s24+$0xFFFFFFEA];
	[tilespmem:v22+s12+$0x0] =	vst.idx.msk $0xffff, v16  }
0x1e1: {  	[tilespmem:v28+s12+$0x0] =	vst.idx.msk $0xffff, v19;
	v35 =	vld [tilespmem:s28+$0x50]  }
0x1e2: {  	v36 =	vmul.u32 $0x11, v30;
	v19 =	vld [tilespmem:s28+$0xFFFFFFEA];
	[tilespmem:v31+s12+$0x0] =	vst.idx.msk $0xffff, v10  }
0x1e3: {  	v37 =	vmul.u32 $0x11, v32;
	[tilespmem:v14+s12+$0x0] =	vst.idx.msk $0xffff, v20;
	v38 =	vld [tilespmem:s0+$0x50]  }
0x1e4: {  	v16 =	vadd.s32 s21, v36;
	v39 =	vmul.u32 $0x11, v33;
	v20 =	vld [tilespmem:s0+$0xFFFFFFEA]  }
0x1e5: {  	v40 =	vmul.u32 $0x11, v34;
	v10 =	vadd.s32 s20, v37  }
0x1e6: {  	v41 =	vmul.u32 $0x11, v35;
	v17 =	vadd.s32 s25, v39  }
0x1e7: {  	[tilespmem:v12+s12+$0x0] =	vst.idx.msk $0xffff, v4;
	v4 =	vadd.s32 s23, v40;
	v42 =	vmul.u32 $0x11, v19  }
0x1e8: {  	[tilespmem:v13+s12+$0x0] =	vst.idx.msk $0xffff, v5;
	v5 =	vld [tilespmem:s19+$0x60];
	v43 =	vadd.s32 s29, v41;
	v44 =	vmul.u32 $0x11, v38  }
0x1e9: {  	v45 =	vld [tilespmem:s19+$0xFFFFFFFA];
	[tilespmem:v16+s12+$0x0] =	vst.idx.msk $0xffff, v30;
	v12 =	vadd.s32 s26, v42;
	v46 =	vmul.u32 $0x11, v20  }
0x1ea: {  	v47 =	vld [tilespmem:s22+$0x60];
	[tilespmem:v10+s12+$0x0] =	vst.idx.msk $0xffff, v32;
	v48 =	vadd.s32 s31, v44  }
0x1eb: {  	[tilespmem:v17+s12+$0x0] =	vst.idx.msk $0xffff, v33;
	v49 =	vld [tilespmem:s22+$0xFFFFFFFA];
	v50 =	vadd.s32 s30, v46  }
0x1ec: {  	[tilespmem:v4+s12+$0x0] =	vst.idx.msk $0xffff, v34;
	v4 =	vld [tilespmem:s24+$0x60]  }
0x1ed: {  	v51 =	vmul.u32 $0x11, v5;
	v52 =	vld [tilespmem:s24+$0xFFFFFFFA];
	[tilespmem:v43+s12+$0x0] =	vst.idx.msk $0xffff, v35  }
0x1ee: {  	v53 =	vmul.u32 $0x11, v45;
	[tilespmem:v12+s12+$0x0] =	vst.idx.msk $0xffff, v19;
	v54 =	vld [tilespmem:s28+$0x60]  }
0x1ef: {  	v55 =	vadd.s32 s18, v51;
	v56 =	vmul.u32 $0x11, v47;
	v57 =	vld [tilespmem:s28+$0xFFFFFFFA];
	[tilespmem:v48+s12+$0x0] =	vst.idx.msk $0xffff, v38  }
0x1f0: {  	v9 =	vadd.s32 s17, v53;
	v58 =	vmul.u32 $0x11, v49;
	[tilespmem:v50+s12+$0x0] =	vst.idx.msk $0xffff, v20;
	v14 =	vld [tilespmem:s0+$0x60]  }
0x1f1: {  	v59 =	vadd.s32 s21, v56;
	v60 =	vmul.u32 $0x11, v4;
	v61 =	vld [tilespmem:s0+$0xFFFFFFFA]  }
0x1f2: {  	[tilespmem:v7+s12+$0x0] =	vst.idx.msk $0x3f, v3;
	v7 =	vmul.u32 $0x11, v52;
	v3 =	vadd.s32 s20, v58  }
0x1f3: {  	[tilespmem:v6+s12+$0x0] =	vst.idx.msk $0x3f, v2;
	v6 =	vmul.u32 $0x11, v54;
	v2 =	vadd.s32 s25, v60  }
0x1f4: {  	[tilespmem:v55+s12+$0x0] =	vst.idx.msk $0x3f, v5;
	v5 =	vadd.s32 s23, v7;
	v7 =	vmul.u32 $0x11, v57  }
0x1f5: {  	[tilespmem:v9+s12+$0x0] =	vst.idx.msk $0x3f, v45;
	v6 =	vadd.s32 s29, v6;
	v62 =	vmul.u32 $0x11, v14  }
0x1f6: {  	[tilespmem:v59+s12+$0x0] =	vst.idx.msk $0x3f, v47;
	v7 =	vadd.s32 s26, v7;
	v63 =	vmul.u32 $0x11, v61  }
0x1f7: {  	[tilespmem:v3+s12+$0x0] =	vst.idx.msk $0x3f, v49;
	v3 =	vadd.s32 s31, v62  }
0x1f8: {  	[tilespmem:v2+s12+$0x0] =	vst.idx.msk $0x3f, v4;
	v2 =	vadd.s32 s30, v63  }
0x1f9: {  	[tilespmem:v5+s12+$0x0] =	vst.idx.msk $0x3f, v52  }
0x1fa: {  	[tilespmem:v6+s12+$0x0] =	vst.idx.msk $0x3f, v54  }
0x1fb: {  	[tilespmem:v7+s12+$0x0] =	vst.idx.msk $0x3f, v57  }
0x1fc: {  	[tilespmem:v3+s12+$0x0] =	vst.idx.msk $0x3f, v14  }
0x1fd: {  	s0 =	simm.s32 $0x106C4;
	[tilespmem:v2+s12+$0x0] =	vst.idx.msk $0x3f, v61  }
0x1fe: {  	v2 =	vld [tilespmem:s0+$0xFFFFFFBC];
	_ =	sdelay $0x1  }
0x1ff: {  	v3 =	vld [tilespmem:s0+$0xFFFFFFCD];
	_ =	sdelay $0x1  }
0x200: {  	v4 =	vimm.s32 $0xFFFFF000;
	v5 =	vld [tilespmem:s0+$0xFFFFFFDE]  }
0x201: {  	vm0 =	vgt.s32 v4, v2  }
0x202: {  	v2 =	vsel vm0, v4, v2;
	v4 =	vld [tilespmem:s0+$0xFFFFFFEF]  }
0x203: {  	vm0 =	vgt.s32 v2, v3  }
0x204: {  	v6 =	vld [tilespmem:s0+$0x0];
	v3 =	vsel vm0, v2, v3  }
0x205: {  	s1 =	simm.s32 $0xFFFFFF34;
	vm0 =	vgt.s32 v3, v5  }
0x206: {  	p0 =	por $0x1, $0x1;
	s29 =	simm.s32 $0xFFFFFF35;
	vm1 =	vgt.s32 v2, s1;
	v2 =	vld [tilespmem:s0+$0x11];
	v5 =	vsel vm0, v3, v5  }
.Ltmp7:
0x207: {  	s30 =	simm.s32 $0xFFFFFF36;
	v7 =	vsel vm1, $0xFFFFF001, v0;
	vm0 =	vgt.s32 v3, s29;
	vm1 =	vgt.s32 v5, v4;
	(pc) =	sbr.rel @!p0 .LBB2_15-.Ltmp7, $4  }
0x208: {  	s31 =	simm.s32 $0xFFFFFF37;
	[tilespmem:s0+$0xFFFFFFBC] =	vst v7;
	v3 =	vsel vm0, $0xFFFFF001, v0;
	vm0 =	vgt.s32 v5, s30;
	v5 =	vsel vm1, v5, v4;
	v4 =	vld [tilespmem:s0+$0x22]  }
0x209: {  	[tilespmem:s0+$0xFFFFFFCD] =	vst v3;
	v3 =	vsel vm0, $0xFFFFF001, v0;
	vm0 =	vgt.s32 v5, s31;
	vm1 =	vgt.s32 v5, v6  }
0x20a: {  	s10 =	simm.s32 $0xFFFFFF38;
	[tilespmem:s0+$0xFFFFFFDE] =	vst v3;
	v3 =	vld [tilespmem:s0+$0x33];
	v7 =	vsel vm0, $0xFFFFF001, v0;
	v5 =	vsel vm1, v5, v6  }
0x20b: {  	s2 =	simm.s32 $0x0;
	s17 =	simm.s32 $0x1074C;
	s1 =	simm.s32 $0xFFFFFFF8;
	[tilespmem:s0+$0xFFFFFFEF] =	vst v7;
	vm0 =	vgt.s32 v5, s10;
	vm1 =	vgt.s32 v5, v2  }
.LBB2_14:
0x20c: {  	v6 =	vld [tilespmem:s17+$0xFFFFFFBC];
	v7 =	vsel vm0, $0xFFFFF001, v0;
	v2 =	vsel vm1, v5, v2;
	s10 =	sadd.s32 $0xFFFFFF41, s1;
	s14 =	smov.u32 s2;
	s2 =	sadd.s32 $0x8, s2  }
0x20d: {  	p0 =	slt.u32 s2, $0x730;
	[tilespmem:s0+$0x0] =	vst v7;
	vm0 =	vgt.s32 v2, s10;
	vm1 =	vgt.s32 v2, v4  }
0x20e: {  	s10 =	sadd.s32 $0xFFFFFF42, s1;
	v5 =	vld [tilespmem:s17+$0xFFFFFFCD];
	v7 =	vsel vm0, $0xFFFFF001, v0;
	v2 =	vsel vm1, v2, v4  }
0x20f: {  	[tilespmem:s0+$0x11] =	vst v7;
	vm0 =	vgt.s32 v2, s10;
	vm1 =	vgt.s32 v2, v3  }
0x210: {  	s10 =	sadd.s32 $0xFFFFFF43, s1;
	s1 =	smov.u32 s14;
	v4 =	vld [tilespmem:s17+$0xFFFFFFDE];
	v7 =	vsel vm0, $0xFFFFF001, v0;
	v2 =	vsel vm1, v2, v3  }
0x211: {  	vm0 =	vgt.s32 v2, v6;
	[tilespmem:s0+$0x22] =	vst v7;
	vm1 =	vgt.s32 v2, s10  }
0x212: {  	s10 =	sadd.s32 $0xFFFFFF3C, s1;
	v2 =	vsel vm0, v2, v6;
	v3 =	vld [tilespmem:s17+$0xFFFFFFEF];
	v6 =	vsel vm1, $0xFFFFF001, v0  }
0x213: {  	vm0 =	vgt.s32 v2, s10;
	vm1 =	vgt.s32 v2, v5;
	[tilespmem:s0+$0x33] =	vst v6;
	s0 =	smov.u32 s17  }
0x214: {  	s10 =	sadd.s32 $0xFFFFFF3D, s1;
	v6 =	vsel vm0, $0xFFFFF001, v0;
	v2 =	vsel vm1, v2, v5;
	v5 =	vld [tilespmem:s17+$0x0]  }
0x215: {  	[tilespmem:s17+$0xFFFFFFBC] =	vst v6;
	vm0 =	vgt.s32 v2, s10;
	vm1 =	vgt.s32 v2, v4  }
0x216: {  	s10 =	sadd.s32 $0xFFFFFF3E, s1;
	v6 =	vsel vm0, $0xFFFFF001, v0;
	v4 =	vsel vm1, v2, v4;
	v2 =	vld [tilespmem:s17+$0x11]  }
.Ltmp8:
0x217: {  	[tilespmem:s17+$0xFFFFFFCD] =	vst v6;
	vm0 =	vgt.s32 v4, s10;
	vm1 =	vgt.s32 v4, v3;
	(pc) =	sbr.rel @p0 .LBB2_14-.Ltmp8, $4  }
0x218: {  	s10 =	sadd.s32 $0xFFFFFF3F, s1;
	v6 =	vsel vm0, $0xFFFFF001, v0;
	v3 =	vsel vm1, v4, v3;
	v4 =	vld [tilespmem:s17+$0x22]  }
0x219: {  	[tilespmem:s17+$0xFFFFFFDE] =	vst v6;
	vm0 =	vgt.s32 v3, s10;
	vm1 =	vgt.s32 v3, v5  }
0x21a: {  	s10 =	sadd.s32 $0xFFFFFF40, s1;
	v6 =	vsel vm0, $0xFFFFF001, v0;
	v5 =	vsel vm1, v3, v5;
	v3 =	vld [tilespmem:s17+$0x33]  }
0x21b: {  	s17 =	sadd.s32 $0x88, s17;
	[tilespmem:s0+$0xFFFFFFEF] =	vst v6;
	vm0 =	vgt.s32 v5, s10;
	vm1 =	vgt.s32 v5, v2  }
.LBB2_15:
0x21c: {  	v2 =	vsel vm1, v5, v2  }
0x21d: {  	vm1 =	vgt.s32 v2, v4  }
0x21e: {  	s2 =	sadd.s32 $0xFFFFFF41, s1;
	v4 =	vsel vm1, v2, v4  }
0x21f: {  	v5 =	vsel vm0, $0xFFFFF001, v0;
	s22 =	sadd.s32 $0xFFFFFF42, s1;
	vm0 =	vgt.s32 v2, s2;
	vm1 =	vgt.s32 v4, v3  }
0x220: {  	s23 =	sadd.s32 $0xFFFFFF43, s1;
	[tilespmem:s0+$0x0] =	vst v5;
	v5 =	vsel vm0, $0xFFFFF001, v0;
	vm0 =	vgt.s32 v4, s22;
	v2 =	vsel vm1, v4, v3  }
0x221: {  	s24 =	simm.s32 $0x673;
	[tilespmem:s0+$0x11] =	vst v5;
	v3 =	vsel vm0, $0xFFFFF001, v0;
	vm0 =	vgt.s32 v2, s23  }
0x222: {  	s25 =	simm.s32 $0x66C;
	[tilespmem:s0+$0x22] =	vst v3;
	v3 =	vsel vm0, $0xFFFFF001, v0;
	vm0 =	vgt.s32 v2, s24  }
0x223: {  	s26 =	simm.s32 $0x66D;
	vm1 =	vgt.s32 v2, s25;
	[tilespmem:s0+$0x33] =	vst v3;
	s0 =	simm.s32 $0x181AF;
	v3 =	vsel vm0, $0xFFFFF001, v0  }
0x224: {  	s28 =	simm.s32 $0x66E;
	v4 =	vsel vm1, $0xFFFFF001, v0;
	vm0 =	vgt.s32 v2, s26;
	[tilespmem:s0+$0x0] =	vst v3  }
0x225: {  	s29 =	simm.s32 $0x66F;
	[tilespmem:s0+$0xFFFFFF89] =	vst v4;
	v3 =	vsel vm0, $0xFFFFF001, v0;
	vm0 =	vgt.s32 v2, s28  }
0x226: {  	s30 =	simm.s32 $0x670;
	[tilespmem:s0+$0xFFFFFF9A] =	vst v3;
	v3 =	vsel vm0, $0xFFFFF001, v0;
	vm0 =	vgt.s32 v2, s29  }
0x227: {  	s31 =	simm.s32 $0x671;
	[tilespmem:s0+$0xFFFFFFAB] =	vst v3;
	v3 =	vsel vm0, $0xFFFFF001, v0;
	vm0 =	vgt.s32 v2, s30  }
0x228: {  	s1 =	simm.s32 $0x738;
	s2 =	simm.s32 $0x672;
	[tilespmem:s0+$0xFFFFFFBC] =	vst v3;
	v3 =	vsel vm0, $0xFFFFF001, v0;
	vm0 =	vgt.s32 v2, s31  }
.LBB2_16:
0x229: {  	s10 =	sadd.s32 $0xFFFFFF43, s1;
	[tilespmem:s0+$0xFFFFFFCD] =	vst v3;
	v3 =	vsel vm0, $0xFFFFF001, v0;
	vm0 =	vgt.s32 v2, s2;
	s2 =	smov.u32 s1;
	s1 =	sadd.s32 $0x8, s1  }
0x22a: {  	s14 =	sadd.s32 $0xFFFFFF3C, s2;
	vm1 =	vgt.s32 v2, s10;
	p0 =	slt.u32 s1, $0x7F8;
	[tilespmem:s0+$0xFFFFFFDE] =	vst v3;
	v3 =	vsel vm0, $0xFFFFF001, v0  }
0x22b: {  	s10 =	sadd.s32 $0xFFFFFF3D, s2;
	vm0 =	vgt.s32 v2, s14;
	v4 =	vsel vm1, $0xFFFFF001, v0;
	[tilespmem:s0+$0xFFFFFFEF] =	vst v3;
	s0 =	sadd.s32 $0x88, s0  }
.Ltmp9:
0x22c: {  	v3 =	vsel vm0, $0xFFFFF001, v0;
	vm0 =	vgt.s32 v2, s10;
	s10 =	sadd.s32 $0xFFFFFF3E, s2;
	[tilespmem:s0+$0x0] =	vst v4;
	(pc) =	sbr.rel @p0 .LBB2_16-.Ltmp9, $4  }
0x22d: {  	[tilespmem:s0+$0xFFFFFF89] =	vst v3;
	v3 =	vsel vm0, $0xFFFFF001, v0;
	vm0 =	vgt.s32 v2, s10;
	s10 =	sadd.s32 $0xFFFFFF3F, s2  }
0x22e: {  	[tilespmem:s0+$0xFFFFFF9A] =	vst v3;
	v3 =	vsel vm0, $0xFFFFF001, v0;
	vm0 =	vgt.s32 v2, s10;
	s10 =	sadd.s32 $0xFFFFFF40, s2  }
0x22f: {  	[tilespmem:s0+$0xFFFFFFAB] =	vst v3;
	v3 =	vsel vm0, $0xFFFFF001, v0;
	vm0 =	vgt.s32 v2, s10;
	s10 =	sadd.s32 $0xFFFFFF41, s2  }
0x230: {  	s2 =	sadd.s32 $0xFFFFFF42, s2;
	[tilespmem:s0+$0xFFFFFFBC] =	vst v3;
	v3 =	vsel vm0, $0xFFFFF001, v0;
	vm0 =	vgt.s32 v2, s10  }
0x231: {  	s1 =	simm.s32 $0x0  }
0x232: {  	[tilespmem:s0+$0xFFFFFFCD] =	vst v3;
	v3 =	vsel vm0, $0xFFFFF001, v0;
	vm8 =	vgt.s32 v2, s2;
	s10 =	sand.u32 $0x78, s1  }
0x233: {  	[tilespmem:s0+$0xFFFFFFDE] =	vst v3;
	v2 =	vsel vm8, $0xFFFFF001, v0;
	s24 =	smul.u32 $0x110, s10  }
0x234: {  	s25 =	simm.s32 $0x0;
	[tilespmem:s0+$0xFFFFFFEF] =	vst v2  }
0x235: {  	_ =	swait.ge [sflag:s13], $0x8000;
	s2 =	sor.u32 s25, s24;
	s0 =	sadd.s32 $0x0, s24  }
0x236: {  	[sflag:s13] =	ssyncset.done $0x0;
	v2 =	vadd.s32 s2, v1;
	s26 =	sadd.s32 $0x770, s0  }
0x237: {  	[sflag:s13] =	ssyncadd.s32 $0xFFFF8000;
	s14 =	sadd.s32 $0x110, s0;
	v3 =	vadd.s32 s26, v1  }
0x238: {  	s28 =	sadd.s32 $0x220, s0;
	_ =	swait.ge [sflag:s15], $0x8000;
	v4 =	vadd.s32 s14, v1  }
0x239: {  	s30 =	sadd.s32 $0x330, s0;
	v5 =	vadd.s32 s28, v1;
	[sflag:s15] =	ssyncset.done $0x0  }
0x23a: {  	s18 =	sadd.s32 $0x550, s0;
	v6 =	vadd.s32 s30, v1;
	[sflag:s15] =	ssyncadd.s32 $0xFFFF8000  }
0x23b: {  	v8 =	vadd.s32 s18, v1;
	v7 =	vld.idx.msk [tilespmem:v2+s12+$0x0], $0xffff  }
0x23c: {  	v3 =	vld.idx.msk [tilespmem:v3+s12+$0x0], $0xffff  }
0x23d: {  	s29 =	simm.s32 $0x0;
	s31 =	simm.s32 $0x0;
	v4 =	vld.idx.msk [tilespmem:v4+s12+$0x0], $0xffff  }
0x23e: {  	s1 =	sand.u32 $0x380, s1;
	s17 =	sadd.s32 $0x440, s0;
	s14 =	sand.u32 $0x3C00, s29;
	v5 =	vld.idx.msk [tilespmem:v5+s12+$0x0], $0xffff  }
0x23f: {  	s19 =	sand.u32 $0x4000, s31;
	v2 =	vadd.s32 s17, v1;
	s17 =	sor.u32 s14, s1;
	v6 =	vld.idx.msk [tilespmem:v6+s12+$0x0], $0xffff  }
0x240: {  	s2 =	sor.u32 s19, s17;
	v8 =	vld.idx.msk [tilespmem:v8+s12+$0x0], $0xffff  }
0x241: {  	v10 =	vld [tilespmem:s2+$0x6F0]  }
0x242: {  	s0 =	sadd.s32 $0x660, s0;
	s18 =	sshll.u32 s10, $0x7;
	s17 =	simm.s32 $0x8;
	v14 =	vld [tilespmem:s2+$0x6A0]  }
0x243: {  	v9 =	vadd.s32 s0, v1;
	s0 =	sor.u32 s18, s19;
	s19 =	sand.u32 $0x78, s17;
	v16 =	vld [tilespmem:s2+$0x6B0]  }
0x244: {  	v18 =	vld [tilespmem:s2+$0x6C0];
	s20 =	smul.u32 $0x110, s19  }
0x245: {  	s21 =	simm.s32 $0x0;
	v11 =	vld.idx.msk [tilespmem:v2+s12+$0x0], $0xffff  }
0x246: {  	s26 =	simm.s32 $0x80;
	s14 =	sor.u32 s21, s20;
	s22 =	sadd.s32 $0x0, s20;
	v2 =	vld [tilespmem:s2+$0x690]  }
0x247: {  	s18 =	simm.s32 $0x400;
	s0 =	sor.u32 s1, s0;
	v13 =	vadd.s32 s14, v1;
	s1 =	sadd.s32 $0x770, s22;
	vm9 =	veq.s32 v3, $0xFFFFF001;
	vm1 =	veq.s32 v4, $0xFFFFF001;
	v4 =	vld [tilespmem:s2+$0x6D0]  }
0x248: {  	v12 =	vld [tilespmem:s0+$0x680];
	s28 =	sand.u32 $0x380, s17;
	s20 =	sand.u32 $0x3C00, s18;
	s23 =	sadd.s32 $0x110, s22;
	vm10 =	veq.s32 v5, $0xFFFFF001;
	v15 =	vadd.s32 s1, v1;
	v3 =	vsel vm9, $0x0, v10  }
0x249: {  	v9 =	vld.idx.msk [tilespmem:v9+s12+$0x0], $0xffff;
	s21 =	sand.u32 $0x4000, s26;
	s24 =	sadd.s32 $0x220, s22;
	vm11 =	veq.s32 v6, $0xFFFFF001;
	s29 =	sor.u32 s20, s28;
	v17 =	vadd.s32 s23, v1;
	v5 =	vsel vm10, $0x0, v14;
	[tilespmem:s2+$0x86F0] =	vst v3  }
0x24a: {  	v19 =	vld [tilespmem:s2+$0x6E0];
	s25 =	sadd.s32 $0x330, s22;
	v10 =	vadd.s32 s24, v1;
	v6 =	vsel vm11, $0x0, v16;
	s1 =	sor.u32 s21, s29;
	[tilespmem:s2+$0x86A0] =	vst v5;
	vm12 =	veq.s32 v11, $0xFFFFF001  }
0x24b: {  	vm13 =	veq.s32 v8, $0xFFFFF001;
	s30 =	sadd.s32 $0x440, s22;
	v20 =	vadd.s32 s25, v1;
	[tilespmem:s2+$0x86B0] =	vst v6;
	v8 =	vld [tilespmem:s1+$0x6F0];
	v6 =	vsel vm12, $0x0, v18  }
0x24c: {  	s31 =	sadd.s32 $0x550, s22;
	v3 =	vsel vm1, $0x0, v2;
	v2 =	vld.idx.msk [tilespmem:v13+s12+$0x0], $0xffff;
	[tilespmem:s2+$0x86C0] =	vst v6;
	v6 =	vsel vm13, $0x0, v4;
	v4 =	vadd.s32 s30, v1  }
0x24d: {  	s10 =	sshll.u32 s19, $0x7;
	vm15 =	veq.s32 v7, $0xFFFFF001;
	s19 =	sadd.s32 $0x660, s22;
	v7 =	vadd.s32 s31, v1;
	[tilespmem:s2+$0x8690] =	vst v3;
	v3 =	vld.idx.msk [tilespmem:v15+s12+$0x0], $0xffff  }
0x24e: {  	vm14 =	veq.s32 v9, $0xFFFFF001;
	v5 =	vld.idx.msk [tilespmem:v17+s12+$0x0], $0xffff;
	[tilespmem:s2+$0x86D0] =	vst v6;
	v6 =	vadd.s32 s19, v1  }
0x24f: {  	s10 =	sor.u32 s10, s21;
	v63 =	vsel vm14, $0x0, v19;
	v9 =	vld.idx.msk [tilespmem:v10+s12+$0x0], $0xffff  }
0x250: {  	s10 =	sor.u32 s28, s10;
	[tilespmem:s2+$0x86E0] =	vst v63;
	v10 =	vsel vm15, $0x0, v12;
	v11 =	vld.idx.msk [tilespmem:v20+s12+$0x0], $0xffff  }
.LBB2_18:
0x251: {  	s17 =	sadd.s32 $0x8, s17;
	vm0 =	veq.s32 v2, $0xFFFFF001;
	v2 =	vld.idx.msk [tilespmem:v4+s12+$0x0], $0xffff;
	[tilespmem:s0+$0x8680] =	vst v10;
	s0 =	smov.u32 s10  }
0x252: {  	vm2 =	veq.s32 v3, $0xFFFFF001;
	s2 =	sand.u32 $0x78, s17;
	p0 =	slt.u32 s17, $0x7F8;
	v10 =	vld.idx.msk [tilespmem:v7+s12+$0x0], $0xffff  }
0x253: {  	vm1 =	veq.s32 v5, $0xFFFFF001;
	s10 =	smul.u32 $0x110, s2;
	s2 =	sshll.u32 s2, $0x7;
	v3 =	vld.idx.msk [tilespmem:v6+s12+$0x0], $0xffff;
	v4 =	vsel vm2, $0x0, v8  }
0x254: {  	s14 =	sshrl.u32 s17, $0x7;
	v5 =	vld [tilespmem:s0+$0x680];
	[tilespmem:s1+$0x86F0] =	vst v4  }
0x255: {  	vm2 =	veq.s32 v9, $0xFFFFF001;
	s19 =	sor.u32 s14, s10;
	s10 =	sadd.s32 s14, s10;
	v8 =	vld [tilespmem:s1+$0x690]  }
0x256: {  	vm3 =	veq.s32 v11, $0xFFFFF001;
	v9 =	vadd.s32 s19, v1;
	s14 =	sadd.s32 $0x110, s10;
	s19 =	sadd.s32 $0x220, s10;
	s20 =	sadd.s32 $0x770, s10;
	v12 =	vld [tilespmem:s1+$0x6A0]  }
0x257: {  	s21 =	sadd.s32 $0x550, s10;
	v11 =	vadd.s32 s14, v1;
	v13 =	vadd.s32 s19, v1;
	s14 =	sadd.s32 $0x330, s10;
	s19 =	sadd.s32 $0x440, s10;
	v14 =	vadd.s32 s20, v1;
	v15 =	vld [tilespmem:s1+$0x6B0]  }
0x258: {  	v7 =	vadd.s32 s21, v1;
	s10 =	sadd.s32 $0x660, s10;
	v16 =	vadd.s32 s14, v1;
	v4 =	vadd.s32 s19, v1;
	v17 =	vld [tilespmem:s1+$0x6C0]  }
0x259: {  	vm4 =	veq.s32 v2, $0xFFFFF001;
	vm5 =	veq.s32 v10, $0xFFFFF001;
	v6 =	vadd.s32 s10, v1;
	v18 =	vld [tilespmem:s1+$0x6D0]  }
0x25a: {  	s18 =	sadd.s32 $0x400, s18;
	v10 =	vsel vm0, $0x0, v5;
	vm0 =	veq.s32 v3, $0xFFFFF001;
	v5 =	vsel vm1, $0x0, v8;
	v19 =	vld [tilespmem:s1+$0x6E0]  }
0x25b: {  	s10 =	sshll.u32 s17, $0x4;
	s14 =	sand.u32 $0x380, s17;
	s19 =	sand.u32 $0x3C00, s18;
	v2 =	vld.idx.msk [tilespmem:v9+s12+$0x0], $0xffff;
	[tilespmem:s1+$0x8690] =	vst v5;
	v5 =	vsel vm2, $0x0, v12  }
.Ltmp10:
0x25c: {  	s10 =	sand.u32 $0x4000, s10;
	s19 =	sor.u32 s19, s14;
	v3 =	vld.idx.msk [tilespmem:v14+s12+$0x0], $0xffff;
	[tilespmem:s1+$0x86A0] =	vst v5;
	v8 =	vsel vm3, $0x0, v15;
	(pc) =	sbr.rel @p0 .LBB2_18-.Ltmp10, $4  }
0x25d: {  	s2 =	sor.u32 s2, s10;
	s19 =	sor.u32 s10, s19;
	v5 =	vld.idx.msk [tilespmem:v11+s12+$0x0], $0xffff;
	[tilespmem:s1+$0x86B0] =	vst v8;
	v9 =	vsel vm4, $0x0, v17  }
0x25e: {  	s10 =	sor.u32 s14, s2;
	v8 =	vld [tilespmem:s19+$0x6F0];
	[tilespmem:s1+$0x86C0] =	vst v9;
	v11 =	vsel vm5, $0x0, v18  }
0x25f: {  	v9 =	vld.idx.msk [tilespmem:v13+s12+$0x0], $0xffff;
	[tilespmem:s1+$0x86D0] =	vst v11;
	v12 =	vsel vm0, $0x0, v19  }
0x260: {  	v11 =	vld.idx.msk [tilespmem:v16+s12+$0x0], $0xffff;
	[tilespmem:s1+$0x86E0] =	vst v12;
	s1 =	smov.u32 s19  }
0x261: {  	_ =	sdelay $0x3  }
0x262: {  	v4 =	vld.idx.msk [tilespmem:v4+s12+$0x0], $0xffff  }
0x263: {  	v7 =	vld.idx.msk [tilespmem:v7+s12+$0x0], $0xffff  }
0x264: {  	v6 =	vld.idx.msk [tilespmem:v6+s12+$0x0], $0xffff  }
0x265: {  	v12 =	vld [tilespmem:s1+$0x690]  }
0x266: {  	v13 =	vld [tilespmem:s1+$0x6A0]  }
0x267: {  	v14 =	vld [tilespmem:s1+$0x6B0]  }
0x268: {  	vm0 =	veq.s32 v3, $0xFFFFF001;
	v3 =	vld [tilespmem:s1+$0x6C0]  }
0x269: {  	[tilespmem:s0+$0x8680] =	vst v10;
	v60 =	vld [tilespmem:s1+$0x6E0];
	vm1 =	veq.s32 v5, $0xFFFFF001;
	v57 =	vsel vm0, $0x0, v8  }
0x26a: {  	v58 =	vld [tilespmem:s1+$0x6D0];
	[tilespmem:s1+$0x86F0] =	vst v57;
	vm10 =	veq.s32 v9, $0xFFFFF001;
	v59 =	vsel vm1, $0x0, v12  }
0x26b: {  	v61 =	vld [tilespmem:s10+$0x680];
	vm11 =	veq.s32 v11, $0xFFFFF001;
	v62 =	vsel vm10, $0x0, v13;
	[tilespmem:s1+$0x8690] =	vst v59  }
0x26c: {  	vm12 =	veq.s32 v4, $0xFFFFF001;
	v63 =	vsel vm11, $0x0, v14;
	[tilespmem:s1+$0x86A0] =	vst v62  }
0x26d: {  	vm14 =	veq.s32 v6, $0xFFFFF001;
	[tilespmem:s1+$0x86B0] =	vst v63;
	v3 =	vsel vm12, $0x0, v3  }
0x26e: {  	vm15 =	veq.s32 v2, $0xFFFFF001;
	vm13 =	veq.s32 v7, $0xFFFFF001;
	v2 =	vsel vm14, $0x0, v60;
	[tilespmem:s1+$0x86C0] =	vst v3  }
0x26f: {  	s16 =	sadd.s32 $0x1, s16;
	v3 =	vsel vm13, $0x0, v58;
	[tilespmem:s1+$0x86E0] =	vst v2  }
0x270: {  	p0 =	sne.s32 s16, s9;
	[tilespmem:s1+$0x86D0] =	vst v3;
	v3 =	vsel vm15, $0x0, v61  }
.Ltmp11:
0x271: {  	s30 =	simm.s32 $0x0;
	s31 =	simm.s32 $0x8680;
	[tilespmem:s10+$0x8680] =	vst v3;
	(pc) =	sbr.rel @p0 .LBB2_1-.Ltmp11, $4  }
0x272: {  	[hbm4b:s8+s30] =	stream.linear.scatter [tilespmem:s31], [sflag:$0x3], $0x8000, $0x38;
	[tilespmem:$0x18F00] =	vst v63  }
0x273: {  	_ =	swait.ge [sflag:s15], $0x8000  }
0x274: {  	[sflag:s15] =	ssyncset.done $0x0  }
0x275: {  	[sflag:s15] =	ssyncadd.s32 $0xFFFF8000  }
0x276: {  	_ =	sfence.sel $0x180000  }
0x277: {  	[bflag:$0x0] =	sbarrier.arrive $0xFFFF  }
0x278: {  	_ =	strace $0x90000047  }
0x279: {  	s0 =	stileid.u32;
	[bflag:$0x2] =	sbarrier.arrive $0xFFFF  }
0x27a: {  	p0 =	sne.s32 s0, $0x0;
	s0 =	rddreg [dreg:$0x3]  }
0x27b: {  	s0 =	sadd.s32 @!p0 $0x100000, s0  }
0x27c: {  	[sflag:s0] =	ssyncadd.tile.s32 @!p0 $0x1;
	_ =	shalt  }
.Lfunc_end2:
_tile_overlayer_lowered:
.L_overlay_start_2:
0x27d: {  	(tag) =	ssettag $0x2  }
0x27e: {  	s0 =	rddreg [dreg:$0x0];
	s2 =	stileid.u32  }
0x27f: {  	s1 =	rddreg [dreg:$0x1];
	p0 =	sne.s32 s2, $0x0  }
0x280: {  	s3 =	rddreg [dreg:$0x2];
	[bflag:$0x3] =	sbarrier.arrive $0xFFFF;
	s2 =	simm.s32 @!p0 $0x1C04  }
0x281: {  	[timem:s3], [sflag:s2] =	dma.local @!p0 [hbm:s0], s1  }
0x282: {  	s0 =	simm.s32 @!p0 $0x4  }
0x283: {  	_ =	swait.ge @!p0 [sflag:s0], s1  }
0x284: {  	s1 =	ssub.s32 @!p0 $0x0, s1;
	[sflag:s0] =	ssyncset.done @!p0 $0x0  }
0x285: {  	[sflag:s0] =	ssyncadd.s32 @!p0 s1  }
0x286: {  	[bflag:$0x3] =	sbarrier.arrive $0xFFFF  }
0x287: {  	_ =	shalt  }

</sc_bundles>
